<compile_context>
chip_gen: v7x
topology: tpu7x:2x2x1
jax: 0.10.2.dev20260603
libtpu: 0.0.44.dev20260713+nightly
codegen_flags: <defaults>
</compile_context>

<pallas_src>
import functools

import jax
import jax.numpy as jnp
from jax import lax
from jax.experimental import pallas as pl
from jax.experimental.pallas import tpu as pltpu
from jax.experimental.pallas import tpu_sc as plsc

B = 16
C = 3
N = 4096
K = 8
CN = C * N
HALF = CN // 2
IHW = HALF + 16
P = 64
NCODE = K * K
TBL = 80
LANES = 16


def _sc_presence(x2, iexth, lev_pad):
    mesh = plsc.VectorSubcoreMesh(core_axis_name="c", subcore_axis_name="s")
    out_type = jax.ShapeDtypeStruct((2 * B, TBL), jnp.int32)

    @functools.partial(
        pl.kernel,
        mesh=mesh,
        out_type=out_type,
        compiler_params=pltpu.CompilerParams(
            needs_layout_passes=False, use_tc_tiling_on_sc=False),
        scratch_types=[
            pltpu.VMEM((2 * N,), jnp.float32),
            pltpu.VMEM((2 * N,), jnp.int32),
            pltpu.VMEM((IHW,), jnp.int32),
            pltpu.VMEM((128,), jnp.float32),
            pltpu.VMEM((TBL,), jnp.int32),
            pltpu.SemaphoreType.DMA,
            pltpu.SemaphoreType.DMA,
            pltpu.SemaphoreType.DMA,
        ],
    )
    def k(x_hbm, iexth_hbm, lev_hbm, pres_hbm,
          xb_v, sym_v, ih_v, lev_v, btab_v, sem0, sem1, sem2):
        wid = lax.axis_index("s") * 2 + lax.axis_index("c")
        half = (wid >= B).astype(jnp.int32)
        b = wid - half * B
        iota = lax.iota(jnp.int32, LANES)
        zero = iota * 0
        one = zero + 1

        cp_x = pltpu.async_copy(x_hbm.at[b, pl.ds(half * N, 2 * N)], xb_v,
                                sem0)
        cp_ih = pltpu.async_copy(iexth_hbm.at[half], ih_v, sem1)
        cp_lev = pltpu.async_copy(lev_hbm, lev_v, sem2)

        for t in range(TBL // LANES):
            btab_v[pl.ds(t * LANES, LANES)] = zero

        cp_lev.wait()
        cp_x.wait()
        for c_local in range(2):
            ch = half + c_local
            lsp = [plsc.load_gather(lev_v, [zero + (ch * K + m)])
                   for m in range(K)]

            @plsc.parallel_loop(0, N, step=LANES, unroll=4)
            def qbody(i, c_local=c_local, lsp=lsp):
                off = c_local * N + i
                v = xb_v[pl.ds(off, LANES)]
                ds_ = [jnp.abs(v - lsp[m]) for m in range(K)]
                idxs = [zero + m for m in range(K)]
                while len(ds_) > 1:
                    nd, ni = [], []
                    for t in range(0, len(ds_), 2):
                        take = ds_[t + 1] < ds_[t]
                        nd.append(jnp.where(take, ds_[t + 1], ds_[t]))
                        ni.append(jnp.where(take, idxs[t + 1], idxs[t]))
                    ds_, idxs = nd, ni
                sym_v[pl.ds(off, LANES)] = idxs[0]

        cp_ih.wait()

        @plsc.parallel_loop(0, HALF - LANES, step=LANES, unroll=4)
        def sbody(base):
            ia = ih_v[pl.ds(base, LANES)]
            ib = ih_v[pl.ds(base + 1, LANES)]
            ga = plsc.load_gather(sym_v, [ia])
            gb = plsc.load_gather(sym_v, [ib])
            plsc.store_scatter(btab_v, [ga * K + gb], one)

        base = HALF - LANES
        ia = ih_v[pl.ds(base, LANES)]
        ib = ih_v[pl.ds(base + 1, LANES)]
        ga = plsc.load_gather(sym_v, [ia])
        gb = plsc.load_gather(sym_v, [ib])
        code = ga * K + gb
        code = jnp.where((half == 0) | (iota < LANES - 1), code, NCODE)
        plsc.store_scatter(btab_v, [code], one)

        @pl.when(half == 1)
        def _stage():
            btab_v[pl.ds(NCODE, LANES)] = ga

        pltpu.async_copy(btab_v, pres_hbm.at[wid], sem0).wait()

    return k(x2, iexth, lev_pad)


def _tc_proto(pmap_flat):

    def body(pmap_ref, out_ref):
        pm = pmap_ref[...]
        nxt = jnp.concatenate([pm[:, 1:], pm[:, 0:1]], axis=1)
        codes = pm * K + nxt
        lane = lax.broadcasted_iota(jnp.int32, (P, N), 1)
        valid = lane < N - 1
        sh = codes & 31
        bit = lax.shift_left(jnp.ones((P, N), jnp.int32), sh)
        lo = jnp.where(valid & (codes < 32), bit, 0)
        hi = jnp.where(valid & (codes >= 32), bit, 0)
        w = N
        while w > 1:
            w //= 2
            lo = lo[:, 0:w] | lo[:, w:2 * w]
            hi = hi[:, 0:w] | hi[:, w:2 * w]
        kk = lax.broadcasted_iota(jnp.int32, (P, 32), 1)
        plo = lax.shift_right_logical(lo, kk) & 1
        phi = lax.shift_right_logical(hi, kk) & 1
        out_ref[...] = jnp.concatenate([plo, phi], axis=1).astype(jnp.float32)

    return pl.pallas_call(
        body,
        out_shape=jax.ShapeDtypeStruct((P, NCODE), jnp.float32),
    )(pmap_flat)


def _tc_combine(pres, ppv_in, pf_in):

    def body(pres_ref, ppv_ref, pf_ref, out_ref):
        psh = pres_ref[...]
        psv = jnp.maximum(psh[0:B, 0:NCODE],
                          psh[B:2 * B, 0:NCODE]).astype(jnp.float32)
        sl = psh[B:2 * B, TBL - 1:TBL]
        ppv = ppv_ref[...]
        pf = pf_ref[...]
        cs = jnp.sum(psv, axis=1, keepdims=True)
        cp_col = jnp.sum(ppv, axis=1, keepdims=True)
        ones_b = jnp.ones((B, 1), jnp.float32)
        cp = lax.dot_general(ones_b, cp_col, (((1,), (1,)), ((), ())))
        inter = lax.dot_general(psv, ppv, (((1,), (1,)), ((), ())))

        el = (sl == lax.broadcasted_iota(jnp.int32, (B, K), 1))
        el = el.astype(jnp.float32)
        ef = (pf == lax.broadcasted_iota(jnp.int32, (P, K), 1))
        ef = ef.astype(jnp.float32)

        a_mat = el[:, 0:1] * psv[:, 0:K]
        for a in range(1, K):
            a_mat = a_mat + el[:, a:a + 1] * psv[:, a * K:(a + 1) * K]
        a_at = lax.dot_general(a_mat, ef, (((1,), (1,)), ((), ())))

        bp_cols = [jnp.sum(ef * ppv[:, l * K:(l + 1) * K], axis=1,
                           keepdims=True) for l in range(K)]
        bp = jnp.concatenate(bp_cols, axis=1)
        b_at = lax.dot_general(el, bp, (((1,), (1,)), ((), ())))

        uj = jnp.maximum(a_at, b_at)
        csp = cs + cp - inter + (1.0 - uj)
        cmin = jnp.minimum(cs, cp)
        cmax = jnp.maximum(cs, cp)
        out_ref[...] = (csp - cmin) / cmax

    return pl.pallas_call(
        body,
        out_shape=jax.ShapeDtypeStruct((B, P), jnp.float32),
    )(pres, ppv_in, pf_in)


def kernel(x, curve, levels, pmap):
    x2 = x.reshape(B, CN)
    curve = curve.astype(jnp.int32)
    ch_off = (jnp.arange(C, dtype=jnp.int32) * N)[:, None]
    idx = (curve[None, :] + ch_off).reshape(-1)
    row0 = idx[:IHW]
    row1 = jnp.concatenate([idx[HALF:], idx[-16:]]) - N
    iexth = jnp.stack([row0, row1])
    lev_pad = jnp.pad(levels.reshape(-1), (0, 128 - C * K))
    pmap_flat = pmap.reshape(P, N).astype(jnp.int32)

    ppv = _tc_proto(pmap_flat)
    pres = _sc_presence(x2, iexth, lev_pad)
    pf = pmap_flat[:, 0:1]
    return _tc_combine(pres, ppv, pf)

# --- scband reference (transcript-rebuilt; emitter-appended) ---
"""Pipeline reference for scband-ccp-8873402433933 (READ-ONLY COPY).

The authoritative reference and input builder live on the scoring server;
editing this copy changes nothing except your own understanding.
"""

import jax, jax.numpy as jnp
import numpy as np

B, C, H, W = 16, 3, 64, 64
N = H * W
L = 8
P0, P1 = 8, 8


def setup_inputs(seed: int = 0) -> dict:
    key = jax.random.key(seed)
    k1, k2, k3, k4 = jax.random.split(key, 4)
    x = jax.random.normal(k1, (B, C, H, W), dtype=jnp.float32)
    # space-filling curve: a permutation of the H*W spatial positions
    curve = jax.random.permutation(k2, N).astype(jnp.int32)
    # per-channel quantization levels, sorted along level axis
    levels = jnp.sort(jax.random.normal(k3, (C, L), dtype=jnp.float32), axis=1)
    # prototype maps: integer symbol strings in [0, L)
    pmap = jax.random.randint(k4, (P0, P1, N), 0, L).astype(jnp.int32)
    return {"x": x, "curve": curve, "levels": levels, "pmap": pmap}


def _cnt(s, K):
    # compression-complexity proxy: number of distinct bigrams (stand-in for
    # LZW dictionary size computed by the original custom CUDA kernel)
    codes = s[:-1].astype(jnp.int32) * K + s[1:].astype(jnp.int32)
    srt = jnp.sort(codes)
    return 1 + jnp.sum((srt[1:] != srt[:-1]).astype(jnp.int32))


def reference(x, curve, levels, pmap):
    b = x.shape[0]
    out = x.reshape(b, x.shape[1], -1)
    out = out[:, :, curve]
    # quantize each value to nearest per-channel level (argmin over levels)
    d = jnp.abs(out[:, :, None, :] - levels[None, :, :, None])
    strings = jnp.argmin(d, axis=2).astype(jnp.int32)  # [B, C, N]
    K = levels.shape[1]
    s_flat = strings.reshape(b, -1)                      # [B, C*N]
    p_flat = pmap.reshape(-1, pmap.shape[-1]).astype(jnp.int32)  # [P0*P1, N]

    Cs = jax.vmap(lambda s: _cnt(s, K))(s_flat)          # [B]
    Cp = jax.vmap(lambda p: _cnt(p, K))(p_flat)          # [P]

    def pair(s, p):
        return _cnt(jnp.concatenate([s, p]), K)

    Csp = jax.vmap(lambda s: jax.vmap(lambda p: pair(s, p))(p_flat))(s_flat)  # [B, P]

    Cs_f = Cs.astype(jnp.float32)[:, None]
    Cp_f = Cp.astype(jnp.float32)[None, :]
    ncds = (Csp.astype(jnp.float32) - jnp.minimum(Cs_f, Cp_f)) / jnp.maximum(Cs_f, Cp_f)
    return ncds.reshape(b, -1)  # [B, P0*P1]

if __name__ == "__main__":
    import jax
    _d = setup_inputs()
    print(jax.jit(kernel)(*tuple(_d.values())))

</pallas_src>

<mosaic_0001>
#map = affine_map<(d0, d1) -> (0, 0)>
#map1 = affine_map<(d0, d1) -> (0)>
module attributes {stable_mosaic.version = 14 : i64} {
  func.func @k(%arg0: i32, %arg1: i32, %arg2: memref<16x12288xf32, #tpu.memory_space<hbm>>, %arg3: memref<2x6160xi32, #tpu.memory_space<hbm>>, %arg4: memref<128xf32, #tpu.memory_space<hbm>>, %arg5: memref<32x80xi32, #tpu.memory_space<hbm>>, %arg6: memref<8192xf32, #tpu.memory_space<vmem>>, %arg7: memref<8192xi32, #tpu.memory_space<vmem>>, %arg8: memref<6160xi32, #tpu.memory_space<vmem>>, %arg9: memref<128xf32, #tpu.memory_space<vmem>>, %arg10: memref<80xi32, #tpu.memory_space<vmem>>, %arg11: memref<!tpu.dma_semaphore, #tpu.memory_space<semaphore_mem>>, %arg12: memref<!tpu.dma_semaphore, #tpu.memory_space<semaphore_mem>>, %arg13: memref<!tpu.dma_semaphore, #tpu.memory_space<semaphore_mem>>) attributes {dimension_semantics = [#tpu.dimension_semantics<core_parallel>, #tpu.dimension_semantics<subcore_parallel>], iteration_bounds = array<i64: 2, 16>, scalar_prefetch = 0 : i64, scratch_operands = 8 : i64, tpu.core_type = #tpu.core_type<sc_vector_subcore>, window_params = [{transform_indices = #map}, {transform_indices = #map}, {transform_indices = #map1}, {transform_indices = #map}]} {
    %mul3A = arith.constant 2 : i32
    %mul3A_0 = arith.muli %arg1, %mul3A : i32
    %add3A = arith.addi %mul3A_0, %arg0 : i32
    %ge3A = arith.constant 16 : i32
    %ge3A_1 = arith.cmpi sge, %add3A, %ge3A : i32
    %convert_element_type3A = arith.extui %ge3A_1 : i1 to i32
    %mul3A_2 = arith.constant 16 : i32
    %mul3A_3 = arith.muli %convert_element_type3A, %mul3A_2 : i32
    %sub3A = arith.subi %add3A, %mul3A_3 : i32
    %iota3A = tpu.iota {dimensions = array<i32: 0>} : vector<16xi32>
    %mul3A_4 = arith.constant 0 : i32
    %mul3A_5 = vector.broadcast %mul3A_4 : i32 to vector<16xi32>
    %mul3A_6 = arith.muli %iota3A, %mul3A_5 : vector<16xi32>
    %add3A_7 = arith.constant 1 : i32
    %add3A_8 = vector.broadcast %add3A_7 : i32 to vector<16xi32>
    %add3A_9 = arith.addi %mul3A_6, %add3A_8 : vector<16xi32>
    %mul3A_10 = arith.constant 4096 : i32
    %mul3A_11 = arith.muli %convert_element_type3A, %mul3A_10 : i32
    %dma_start3A = tpu.memref_slice %arg2[%sub3A, %mul3A_11] : memref<16x12288xf32, #tpu.memory_space<hbm>> -> memref<1x8192xf32, #tpu.memory_space<hbm>>
    %dma_start3A_12 = tpu.memref_squeeze %dma_start3A : memref<1x8192xf32, #tpu.memory_space<hbm>> -> memref<8192xf32, #tpu.memory_space<hbm>>
    %dma_start3A_13 = tpu.memref_slice %arg2[%sub3A, %mul3A_11] : memref<16x12288xf32, #tpu.memory_space<hbm>> -> memref<1x8192xf32, #tpu.memory_space<hbm>>
    %dma_start3A_14 = tpu.memref_squeeze %dma_start3A_13 : memref<1x8192xf32, #tpu.memory_space<hbm>> -> memref<8192xf32, #tpu.memory_space<hbm>>
    tpu.enqueue_dma source(%dma_start3A_14 : memref<8192xf32, #tpu.memory_space<hbm>>) target(%arg6 : memref<8192xf32, #tpu.memory_space<vmem>>) target_semaphore(%arg11 : memref<!tpu.dma_semaphore, #tpu.memory_space<semaphore_mem>>)
    %dma_start3A_15 = arith.constant 0 : i32
    %dma_start3A_16 = tpu.memref_slice %arg3[%convert_element_type3A, %dma_start3A_15] : memref<2x6160xi32, #tpu.memory_space<hbm>> -> memref<1x6160xi32, #tpu.memory_space<hbm>>
    %dma_start3A_17 = tpu.memref_squeeze %dma_start3A_16 : memref<1x6160xi32, #tpu.memory_space<hbm>> -> memref<6160xi32, #tpu.memory_space<hbm>>
    %dma_start3A_18 = arith.constant 0 : i32
    %dma_start3A_19 = tpu.memref_slice %arg3[%convert_element_type3A, %dma_start3A_18] : memref<2x6160xi32, #tpu.memory_space<hbm>> -> memref<1x6160xi32, #tpu.memory_space<hbm>>
    %dma_start3A_20 = tpu.memref_squeeze %dma_start3A_19 : memref<1x6160xi32, #tpu.memory_space<hbm>> -> memref<6160xi32, #tpu.memory_space<hbm>>
    tpu.enqueue_dma source(%dma_start3A_20 : memref<6160xi32, #tpu.memory_space<hbm>>) target(%arg8 : memref<6160xi32, #tpu.memory_space<vmem>>) target_semaphore(%arg12 : memref<!tpu.dma_semaphore, #tpu.memory_space<semaphore_mem>>)
    tpu.enqueue_dma source(%arg4 : memref<128xf32, #tpu.memory_space<hbm>>) target(%arg9 : memref<128xf32, #tpu.memory_space<vmem>>) target_semaphore(%arg13 : memref<!tpu.dma_semaphore, #tpu.memory_space<semaphore_mem>>)
    %swap3A = arith.constant 0 : index
    %swap3A_21 = tpu.vector_load %arg10[%swap3A] {strides = array<i32>} : memref<80xi32, #tpu.memory_space<vmem>>, vector<16xi32>,
    tpu.vector_store %arg10[%swap3A], %mul3A_6 {strides = array<i32>} : memref<80xi32, #tpu.memory_space<vmem>>, vector<16xi32>,
    %swap3A_22 = arith.constant 16 : index
    %swap3A_23 = tpu.vector_load %arg10[%swap3A_22] {strides = array<i32>} : memref<80xi32, #tpu.memory_space<vmem>>, vector<16xi32>,
    tpu.vector_store %arg10[%swap3A_22], %mul3A_6 {strides = array<i32>} : memref<80xi32, #tpu.memory_space<vmem>>, vector<16xi32>,
    %swap3A_24 = arith.constant 32 : index
    %swap3A_25 = tpu.vector_load %arg10[%swap3A_24] {strides = array<i32>} : memref<80xi32, #tpu.memory_space<vmem>>, vector<16xi32>,
    tpu.vector_store %arg10[%swap3A_24], %mul3A_6 {strides = array<i32>} : memref<80xi32, #tpu.memory_space<vmem>>, vector<16xi32>,
    %swap3A_26 = arith.constant 48 : index
    %swap3A_27 = tpu.vector_load %arg10[%swap3A_26] {strides = array<i32>} : memref<80xi32, #tpu.memory_space<vmem>>, vector<16xi32>,
    tpu.vector_store %arg10[%swap3A_26], %mul3A_6 {strides = array<i32>} : memref<80xi32, #tpu.memory_space<vmem>>, vector<16xi32>,
    %swap3A_28 = arith.constant 64 : index
    %swap3A_29 = tpu.vector_load %arg10[%swap3A_28] {strides = array<i32>} : memref<80xi32, #tpu.memory_space<vmem>>, vector<16xi32>,
    tpu.vector_store %arg10[%swap3A_28], %mul3A_6 {strides = array<i32>} : memref<80xi32, #tpu.memory_space<vmem>>, vector<16xi32>,
    tpu.wait_dma2 semaphore(%arg13 : memref<!tpu.dma_semaphore, #tpu.memory_space<semaphore_mem>>) src(%arg4 : memref<128xf32, #tpu.memory_space<hbm>>) dst(%arg9 : memref<128xf32, #tpu.memory_space<vmem>>)
    %dma_wait3A = tpu.memref_slice %arg2[%sub3A, %mul3A_11] : memref<16x12288xf32, #tpu.memory_space<hbm>> -> memref<1x8192xf32, #tpu.memory_space<hbm>>
    %dma_wait3A_30 = tpu.memref_squeeze %dma_wait3A : memref<1x8192xf32, #tpu.memory_space<hbm>> -> memref<8192xf32, #tpu.memory_space<hbm>>
    %dma_wait3A_31 = tpu.memref_slice %arg2[%sub3A, %mul3A_11] : memref<16x12288xf32, #tpu.memory_space<hbm>> -> memref<1x8192xf32, #tpu.memory_space<hbm>>
    %dma_wait3A_32 = tpu.memref_squeeze %dma_wait3A_31 : memref<1x8192xf32, #tpu.memory_space<hbm>> -> memref<8192xf32, #tpu.memory_space<hbm>>
    tpu.wait_dma2 semaphore(%arg11 : memref<!tpu.dma_semaphore, #tpu.memory_space<semaphore_mem>>) src(%dma_wait3A_32 : memref<8192xf32, #tpu.memory_space<hbm>>) dst(%arg6 : memref<8192xf32, #tpu.memory_space<vmem>>)
    %add3A_33 = arith.constant 0 : i32
    %add3A_34 = arith.addi %convert_element_type3A, %add3A_33 : i32
    %mul3A_35 = arith.constant 8 : i32
    %mul3A_36 = arith.muli %add3A_34, %mul3A_35 : i32
    %add3A_37 = arith.constant 0 : i32
    %add3A_38 = arith.addi %mul3A_36, %add3A_37 : i32
    %add3A_39 = vector.broadcast %add3A_38 : i32 to vector<16xi32>
    %add3A_40 = arith.addi %mul3A_6, %add3A_39 : vector<16xi32>
    %gather3A = tpu.vector_load_idx %arg9[%add3A_40] : memref<128xf32, #tpu.memory_space<vmem>>[vector<16xi32>], vector<16xf32>,
    %mul3A_41 = arith.constant 8 : i32
    %mul3A_42 = arith.muli %add3A_34, %mul3A_41 : i32
    %add3A_43 = arith.constant 1 : i32
    %add3A_44 = arith.addi %mul3A_42, %add3A_43 : i32
    %add3A_45 = vector.broadcast %add3A_44 : i32 to vector<16xi32>
    %add3A_46 = arith.addi %mul3A_6, %add3A_45 : vector<16xi32>
    %gather3A_47 = tpu.vector_load_idx %arg9[%add3A_46] : memref<128xf32, #tpu.memory_space<vmem>>[vector<16xi32>], vector<16xf32>,
    %mul3A_48 = arith.constant 8 : i32
    %mul3A_49 = arith.muli %add3A_34, %mul3A_48 : i32
    %add3A_50 = arith.constant 2 : i32
    %add3A_51 = arith.addi %mul3A_49, %add3A_50 : i32
    %add3A_52 = vector.broadcast %add3A_51 : i32 to vector<16xi32>
    %add3A_53 = arith.addi %mul3A_6, %add3A_52 : vector<16xi32>
    %gather3A_54 = tpu.vector_load_idx %arg9[%add3A_53] : memref<128xf32, #tpu.memory_space<vmem>>[vector<16xi32>], vector<16xf32>,
    %mul3A_55 = arith.constant 8 : i32
    %mul3A_56 = arith.muli %add3A_34, %mul3A_55 : i32
    %add3A_57 = arith.constant 3 : i32
    %add3A_58 = arith.addi %mul3A_56, %add3A_57 : i32
    %add3A_59 = vector.broadcast %add3A_58 : i32 to vector<16xi32>
    %add3A_60 = arith.addi %mul3A_6, %add3A_59 : vector<16xi32>
    %gather3A_61 = tpu.vector_load_idx %arg9[%add3A_60] : memref<128xf32, #tpu.memory_space<vmem>>[vector<16xi32>], vector<16xf32>,
    %mul3A_62 = arith.constant 8 : i32
    %mul3A_63 = arith.muli %add3A_34, %mul3A_62 : i32
    %add3A_64 = arith.constant 4 : i32
    %add3A_65 = arith.addi %mul3A_63, %add3A_64 : i32
    %add3A_66 = vector.broadcast %add3A_65 : i32 to vector<16xi32>
    %add3A_67 = arith.addi %mul3A_6, %add3A_66 : vector<16xi32>
    %gather3A_68 = tpu.vector_load_idx %arg9[%add3A_67] : memref<128xf32, #tpu.memory_space<vmem>>[vector<16xi32>], vector<16xf32>,
    %mul3A_69 = arith.constant 8 : i32
    %mul3A_70 = arith.muli %add3A_34, %mul3A_69 : i32
    %add3A_71 = arith.constant 5 : i32
    %add3A_72 = arith.addi %mul3A_70, %add3A_71 : i32
    %add3A_73 = vector.broadcast %add3A_72 : i32 to vector<16xi32>
    %add3A_74 = arith.addi %mul3A_6, %add3A_73 : vector<16xi32>
    %gather3A_75 = tpu.vector_load_idx %arg9[%add3A_74] : memref<128xf32, #tpu.memory_space<vmem>>[vector<16xi32>], vector<16xf32>,
    %mul3A_76 = arith.constant 8 : i32
    %mul3A_77 = arith.muli %add3A_34, %mul3A_76 : i32
    %add3A_78 = arith.constant 6 : i32
    %add3A_79 = arith.addi %mul3A_77, %add3A_78 : i32
    %add3A_80 = vector.broadcast %add3A_79 : i32 to vector<16xi32>
    %add3A_81 = arith.addi %mul3A_6, %add3A_80 : vector<16xi32>
    %gather3A_82 = tpu.vector_load_idx %arg9[%add3A_81] : memref<128xf32, #tpu.memory_space<vmem>>[vector<16xi32>], vector<16xf32>,
    %mul3A_83 = arith.constant 8 : i32
    %mul3A_84 = arith.muli %add3A_34, %mul3A_83 : i32
    %add3A_85 = arith.constant 7 : i32
    %add3A_86 = arith.addi %mul3A_84, %add3A_85 : i32
    %add3A_87 = vector.broadcast %add3A_86 : i32 to vector<16xi32>
    %add3A_88 = arith.addi %mul3A_6, %add3A_87 : vector<16xi32>
    %gather3A_89 = tpu.vector_load_idx %arg9[%add3A_88] : memref<128xf32, #tpu.memory_space<vmem>>[vector<16xi32>], vector<16xf32>,
    %parallel_loop3A = arith.constant 0 : i32
    %parallel_loop3A_90 = arith.constant 4096 : i32
    %parallel_loop3A_91 = arith.constant 16 : i32
    scf.for %parallel_loop3A_191 = %parallel_loop3A to %parallel_loop3A_90 step %parallel_loop3A_91  : i32 {
      %parallel_loop3A_192 = arith.constant 0 : i32
      %parallel_loop3A_193 = arith.addi %parallel_loop3A_192, %parallel_loop3A_191 : i32
      %parallel_loop3A_194 = arith.index_cast %parallel_loop3A_193 : i32 to index
      %parallel_loop3A_195 = tpu.vector_load %arg6[%parallel_loop3A_194] {strides = array<i32>} : memref<8192xf32, #tpu.memory_space<vmem>>, vector<16xf32>,
      %parallel_loop3A_196 = arith.subf %parallel_loop3A_195, %gather3A : vector<16xf32>
      %parallel_loop3A_197 = math.absf %parallel_loop3A_196 : vector<16xf32>
      %parallel_loop3A_198 = arith.subf %parallel_loop3A_195, %gather3A_47 : vector<16xf32>
      %parallel_loop3A_199 = math.absf %parallel_loop3A_198 : vector<16xf32>
      %parallel_loop3A_200 = arith.subf %parallel_loop3A_195, %gather3A_54 : vector<16xf32>
      %parallel_loop3A_201 = math.absf %parallel_loop3A_200 : vector<16xf32>
      %parallel_loop3A_202 = arith.subf %parallel_loop3A_195, %gather3A_61 : vector<16xf32>
      %parallel_loop3A_203 = math.absf %parallel_loop3A_202 : vector<16xf32>
      %parallel_loop3A_204 = arith.subf %parallel_loop3A_195, %gather3A_68 : vector<16xf32>
      %parallel_loop3A_205 = math.absf %parallel_loop3A_204 : vector<16xf32>
      %parallel_loop3A_206 = arith.subf %parallel_loop3A_195, %gather3A_75 : vector<16xf32>
      %parallel_loop3A_207 = math.absf %parallel_loop3A_206 : vector<16xf32>
      %parallel_loop3A_208 = arith.subf %parallel_loop3A_195, %gather3A_82 : vector<16xf32>
      %parallel_loop3A_209 = math.absf %parallel_loop3A_208 : vector<16xf32>
      %parallel_loop3A_210 = arith.subf %parallel_loop3A_195, %gather3A_89 : vector<16xf32>
      %parallel_loop3A_211 = math.absf %parallel_loop3A_210 : vector<16xf32>
      %parallel_loop3A_212 = arith.constant 0 : i32
      %parallel_loop3A_213 = vector.broadcast %parallel_loop3A_212 : i32 to vector<16xi32>
      %parallel_loop3A_214 = arith.addi %mul3A_6, %parallel_loop3A_213 : vector<16xi32>
      %parallel_loop3A_215 = arith.constant 1 : i32
      %parallel_loop3A_216 = vector.broadcast %parallel_loop3A_215 : i32 to vector<16xi32>
      %parallel_loop3A_217 = arith.addi %mul3A_6, %parallel_loop3A_216 : vector<16xi32>
      %parallel_loop3A_218 = arith.constant 2 : i32
      %parallel_loop3A_219 = vector.broadcast %parallel_loop3A_218 : i32 to vector<16xi32>
      %parallel_loop3A_220 = arith.addi %mul3A_6, %parallel_loop3A_219 : vector<16xi32>
      %parallel_loop3A_221 = arith.constant 3 : i32
      %parallel_loop3A_222 = vector.broadcast %parallel_loop3A_221 : i32 to vector<16xi32>
      %parallel_loop3A_223 = arith.addi %mul3A_6, %parallel_loop3A_222 : vector<16xi32>
      %parallel_loop3A_224 = arith.constant 4 : i32
      %parallel_loop3A_225 = vector.broadcast %parallel_loop3A_224 : i32 to vector<16xi32>
      %parallel_loop3A_226 = arith.addi %mul3A_6, %parallel_loop3A_225 : vector<16xi32>
      %parallel_loop3A_227 = arith.constant 5 : i32
      %parallel_loop3A_228 = vector.broadcast %parallel_loop3A_227 : i32 to vector<16xi32>
      %parallel_loop3A_229 = arith.addi %mul3A_6, %parallel_loop3A_228 : vector<16xi32>
      %parallel_loop3A_230 = arith.constant 6 : i32
      %parallel_loop3A_231 = vector.broadcast %parallel_loop3A_230 : i32 to vector<16xi32>
      %parallel_loop3A_232 = arith.addi %mul3A_6, %parallel_loop3A_231 : vector<16xi32>
      %parallel_loop3A_233 = arith.constant 7 : i32
      %parallel_loop3A_234 = vector.broadcast %parallel_loop3A_233 : i32 to vector<16xi32>
      %parallel_loop3A_235 = arith.addi %mul3A_6, %parallel_loop3A_234 : vector<16xi32>
      %parallel_loop3A_236 = arith.cmpf olt, %parallel_loop3A_199, %parallel_loop3A_197 : vector<16xf32>
      %parallel_loop3A_237 = arith.select %parallel_loop3A_236, %parallel_loop3A_199, %parallel_loop3A_197 : vector<16xi1>, vector<16xf32>
      %parallel_loop3A_238 = arith.select %parallel_loop3A_236, %parallel_loop3A_217, %parallel_loop3A_214 : vector<16xi1>, vector<16xi32>
      %parallel_loop3A_239 = arith.cmpf olt, %parallel_loop3A_203, %parallel_loop3A_201 : vector<16xf32>
      %parallel_loop3A_240 = arith.select %parallel_loop3A_239, %parallel_loop3A_203, %parallel_loop3A_201 : vector<16xi1>, vector<16xf32>
      %parallel_loop3A_241 = arith.select %parallel_loop3A_239, %parallel_loop3A_223, %parallel_loop3A_220 : vector<16xi1>, vector<16xi32>
      %parallel_loop3A_242 = arith.cmpf olt, %parallel_loop3A_207, %parallel_loop3A_205 : vector<16xf32>
      %parallel_loop3A_243 = arith.select %parallel_loop3A_242, %parallel_loop3A_207, %parallel_loop3A_205 : vector<16xi1>, vector<16xf32>
      %parallel_loop3A_244 = arith.select %parallel_loop3A_242, %parallel_loop3A_229, %parallel_loop3A_226 : vector<16xi1>, vector<16xi32>
      %parallel_loop3A_245 = arith.cmpf olt, %parallel_loop3A_211, %parallel_loop3A_209 : vector<16xf32>
      %parallel_loop3A_246 = arith.select %parallel_loop3A_245, %parallel_loop3A_211, %parallel_loop3A_209 : vector<16xi1>, vector<16xf32>
      %parallel_loop3A_247 = arith.select %parallel_loop3A_245, %parallel_loop3A_235, %parallel_loop3A_232 : vector<16xi1>, vector<16xi32>
      %parallel_loop3A_248 = arith.cmpf olt, %parallel_loop3A_240, %parallel_loop3A_237 : vector<16xf32>
      %parallel_loop3A_249 = arith.select %parallel_loop3A_248, %parallel_loop3A_240, %parallel_loop3A_237 : vector<16xi1>, vector<16xf32>
      %parallel_loop3A_250 = arith.select %parallel_loop3A_248, %parallel_loop3A_241, %parallel_loop3A_238 : vector<16xi1>, vector<16xi32>
      %parallel_loop3A_251 = arith.cmpf olt, %parallel_loop3A_246, %parallel_loop3A_243 : vector<16xf32>
      %parallel_loop3A_252 = arith.select %parallel_loop3A_251, %parallel_loop3A_246, %parallel_loop3A_243 : vector<16xi1>, vector<16xf32>
      %parallel_loop3A_253 = arith.select %parallel_loop3A_251, %parallel_loop3A_247, %parallel_loop3A_244 : vector<16xi1>, vector<16xi32>
      %parallel_loop3A_254 = arith.cmpf olt, %parallel_loop3A_252, %parallel_loop3A_249 : vector<16xf32>
      %parallel_loop3A_255 = arith.select %parallel_loop3A_254, %parallel_loop3A_252, %parallel_loop3A_249 : vector<16xi1>, vector<16xf32>
      %parallel_loop3A_256 = arith.select %parallel_loop3A_254, %parallel_loop3A_253, %parallel_loop3A_250 : vector<16xi1>, vector<16xi32>
      %parallel_loop3A_257 = arith.index_cast %parallel_loop3A_193 : i32 to index
      %parallel_loop3A_258 = tpu.vector_load %arg7[%parallel_loop3A_257] {strides = array<i32>} : memref<8192xi32, #tpu.memory_space<vmem>>, vector<16xi32>,
      tpu.vector_store %arg7[%parallel_loop3A_257], %parallel_loop3A_256 {strides = array<i32>} : memref<8192xi32, #tpu.memory_space<vmem>>, vector<16xi32>,
    } {sc.loop_unroll_factor = 4 : i64, sc.parallel_access}
    %add3A_92 = arith.constant 1 : i32
    %add3A_93 = arith.addi %convert_element_type3A, %add3A_92 : i32
    %mul3A_94 = arith.constant 8 : i32
    %mul3A_95 = arith.muli %add3A_93, %mul3A_94 : i32
    %add3A_96 = arith.constant 0 : i32
    %add3A_97 = arith.addi %mul3A_95, %add3A_96 : i32
    %add3A_98 = vector.broadcast %add3A_97 : i32 to vector<16xi32>
    %add3A_99 = arith.addi %mul3A_6, %add3A_98 : vector<16xi32>
    %gather3A_100 = tpu.vector_load_idx %arg9[%add3A_99] : memref<128xf32, #tpu.memory_space<vmem>>[vector<16xi32>], vector<16xf32>,
    %mul3A_101 = arith.constant 8 : i32
    %mul3A_102 = arith.muli %add3A_93, %mul3A_101 : i32
    %add3A_103 = arith.constant 1 : i32
    %add3A_104 = arith.addi %mul3A_102, %add3A_103 : i32
    %add3A_105 = vector.broadcast %add3A_104 : i32 to vector<16xi32>
    %add3A_106 = arith.addi %mul3A_6, %add3A_105 : vector<16xi32>
    %gather3A_107 = tpu.vector_load_idx %arg9[%add3A_106] : memref<128xf32, #tpu.memory_space<vmem>>[vector<16xi32>], vector<16xf32>,
    %mul3A_108 = arith.constant 8 : i32
    %mul3A_109 = arith.muli %add3A_93, %mul3A_108 : i32
    %add3A_110 = arith.constant 2 : i32
    %add3A_111 = arith.addi %mul3A_109, %add3A_110 : i32
    %add3A_112 = vector.broadcast %add3A_111 : i32 to vector<16xi32>
    %add3A_113 = arith.addi %mul3A_6, %add3A_112 : vector<16xi32>
    %gather3A_114 = tpu.vector_load_idx %arg9[%add3A_113] : memref<128xf32, #tpu.memory_space<vmem>>[vector<16xi32>], vector<16xf32>,
    %mul3A_115 = arith.constant 8 : i32
    %mul3A_116 = arith.muli %add3A_93, %mul3A_115 : i32
    %add3A_117 = arith.constant 3 : i32
    %add3A_118 = arith.addi %mul3A_116, %add3A_117 : i32
    %add3A_119 = vector.broadcast %add3A_118 : i32 to vector<16xi32>
    %add3A_120 = arith.addi %mul3A_6, %add3A_119 : vector<16xi32>
    %gather3A_121 = tpu.vector_load_idx %arg9[%add3A_120] : memref<128xf32, #tpu.memory_space<vmem>>[vector<16xi32>], vector<16xf32>,
    %mul3A_122 = arith.constant 8 : i32
    %mul3A_123 = arith.muli %add3A_93, %mul3A_122 : i32
    %add3A_124 = arith.constant 4 : i32
    %add3A_125 = arith.addi %mul3A_123, %add3A_124 : i32
    %add3A_126 = vector.broadcast %add3A_125 : i32 to vector<16xi32>
    %add3A_127 = arith.addi %mul3A_6, %add3A_126 : vector<16xi32>
    %gather3A_128 = tpu.vector_load_idx %arg9[%add3A_127] : memref<128xf32, #tpu.memory_space<vmem>>[vector<16xi32>], vector<16xf32>,
    %mul3A_129 = arith.constant 8 : i32
    %mul3A_130 = arith.muli %add3A_93, %mul3A_129 : i32
    %add3A_131 = arith.constant 5 : i32
    %add3A_132 = arith.addi %mul3A_130, %add3A_131 : i32
    %add3A_133 = vector.broadcast %add3A_132 : i32 to vector<16xi32>
    %add3A_134 = arith.addi %mul3A_6, %add3A_133 : vector<16xi32>
    %gather3A_135 = tpu.vector_load_idx %arg9[%add3A_134] : memref<128xf32, #tpu.memory_space<vmem>>[vector<16xi32>], vector<16xf32>,
    %mul3A_136 = arith.constant 8 : i32
    %mul3A_137 = arith.muli %add3A_93, %mul3A_136 : i32
    %add3A_138 = arith.constant 6 : i32
    %add3A_139 = arith.addi %mul3A_137, %add3A_138 : i32
    %add3A_140 = vector.broadcast %add3A_139 : i32 to vector<16xi32>
    %add3A_141 = arith.addi %mul3A_6, %add3A_140 : vector<16xi32>
    %gather3A_142 = tpu.vector_load_idx %arg9[%add3A_141] : memref<128xf32, #tpu.memory_space<vmem>>[vector<16xi32>], vector<16xf32>,
    %mul3A_143 = arith.constant 8 : i32
    %mul3A_144 = arith.muli %add3A_93, %mul3A_143 : i32
    %add3A_145 = arith.constant 7 : i32
    %add3A_146 = arith.addi %mul3A_144, %add3A_145 : i32
    %add3A_147 = vector.broadcast %add3A_146 : i32 to vector<16xi32>
    %add3A_148 = arith.addi %mul3A_6, %add3A_147 : vector<16xi32>
    %gather3A_149 = tpu.vector_load_idx %arg9[%add3A_148] : memref<128xf32, #tpu.memory_space<vmem>>[vector<16xi32>], vector<16xf32>,
    %parallel_loop3A_150 = arith.constant 0 : i32
    %parallel_loop3A_151 = arith.constant 4096 : i32
    %parallel_loop3A_152 = arith.constant 16 : i32
    scf.for %parallel_loop3A_191 = %parallel_loop3A_150 to %parallel_loop3A_151 step %parallel_loop3A_152  : i32 {
      %parallel_loop3A_192 = arith.constant 4096 : i32
      %parallel_loop3A_193 = arith.addi %parallel_loop3A_192, %parallel_loop3A_191 : i32
      %parallel_loop3A_194 = arith.index_cast %parallel_loop3A_193 : i32 to index
      %parallel_loop3A_195 = tpu.vector_load %arg6[%parallel_loop3A_194] {strides = array<i32>} : memref<8192xf32, #tpu.memory_space<vmem>>, vector<16xf32>,
      %parallel_loop3A_196 = arith.subf %parallel_loop3A_195, %gather3A_100 : vector<16xf32>
      %parallel_loop3A_197 = math.absf %parallel_loop3A_196 : vector<16xf32>
      %parallel_loop3A_198 = arith.subf %parallel_loop3A_195, %gather3A_107 : vector<16xf32>
      %parallel_loop3A_199 = math.absf %parallel_loop3A_198 : vector<16xf32>
      %parallel_loop3A_200 = arith.subf %parallel_loop3A_195, %gather3A_114 : vector<16xf32>
      %parallel_loop3A_201 = math.absf %parallel_loop3A_200 : vector<16xf32>
      %parallel_loop3A_202 = arith.subf %parallel_loop3A_195, %gather3A_121 : vector<16xf32>
      %parallel_loop3A_203 = math.absf %parallel_loop3A_202 : vector<16xf32>
      %parallel_loop3A_204 = arith.subf %parallel_loop3A_195, %gather3A_128 : vector<16xf32>
      %parallel_loop3A_205 = math.absf %parallel_loop3A_204 : vector<16xf32>
      %parallel_loop3A_206 = arith.subf %parallel_loop3A_195, %gather3A_135 : vector<16xf32>
      %parallel_loop3A_207 = math.absf %parallel_loop3A_206 : vector<16xf32>
      %parallel_loop3A_208 = arith.subf %parallel_loop3A_195, %gather3A_142 : vector<16xf32>
      %parallel_loop3A_209 = math.absf %parallel_loop3A_208 : vector<16xf32>
      %parallel_loop3A_210 = arith.subf %parallel_loop3A_195, %gather3A_149 : vector<16xf32>
      %parallel_loop3A_211 = math.absf %parallel_loop3A_210 : vector<16xf32>
      %parallel_loop3A_212 = arith.constant 0 : i32
      %parallel_loop3A_213 = vector.broadcast %parallel_loop3A_212 : i32 to vector<16xi32>
      %parallel_loop3A_214 = arith.addi %mul3A_6, %parallel_loop3A_213 : vector<16xi32>
      %parallel_loop3A_215 = arith.constant 1 : i32
      %parallel_loop3A_216 = vector.broadcast %parallel_loop3A_215 : i32 to vector<16xi32>
      %parallel_loop3A_217 = arith.addi %mul3A_6, %parallel_loop3A_216 : vector<16xi32>
      %parallel_loop3A_218 = arith.constant 2 : i32
      %parallel_loop3A_219 = vector.broadcast %parallel_loop3A_218 : i32 to vector<16xi32>
      %parallel_loop3A_220 = arith.addi %mul3A_6, %parallel_loop3A_219 : vector<16xi32>
      %parallel_loop3A_221 = arith.constant 3 : i32
      %parallel_loop3A_222 = vector.broadcast %parallel_loop3A_221 : i32 to vector<16xi32>
      %parallel_loop3A_223 = arith.addi %mul3A_6, %parallel_loop3A_222 : vector<16xi32>
      %parallel_loop3A_224 = arith.constant 4 : i32
      %parallel_loop3A_225 = vector.broadcast %parallel_loop3A_224 : i32 to vector<16xi32>
      %parallel_loop3A_226 = arith.addi %mul3A_6, %parallel_loop3A_225 : vector<16xi32>
      %parallel_loop3A_227 = arith.constant 5 : i32
      %parallel_loop3A_228 = vector.broadcast %parallel_loop3A_227 : i32 to vector<16xi32>
      %parallel_loop3A_229 = arith.addi %mul3A_6, %parallel_loop3A_228 : vector<16xi32>
      %parallel_loop3A_230 = arith.constant 6 : i32
      %parallel_loop3A_231 = vector.broadcast %parallel_loop3A_230 : i32 to vector<16xi32>
      %parallel_loop3A_232 = arith.addi %mul3A_6, %parallel_loop3A_231 : vector<16xi32>
      %parallel_loop3A_233 = arith.constant 7 : i32
      %parallel_loop3A_234 = vector.broadcast %parallel_loop3A_233 : i32 to vector<16xi32>
      %parallel_loop3A_235 = arith.addi %mul3A_6, %parallel_loop3A_234 : vector<16xi32>
      %parallel_loop3A_236 = arith.cmpf olt, %parallel_loop3A_199, %parallel_loop3A_197 : vector<16xf32>
      %parallel_loop3A_237 = arith.select %parallel_loop3A_236, %parallel_loop3A_199, %parallel_loop3A_197 : vector<16xi1>, vector<16xf32>
      %parallel_loop3A_238 = arith.select %parallel_loop3A_236, %parallel_loop3A_217, %parallel_loop3A_214 : vector<16xi1>, vector<16xi32>
      %parallel_loop3A_239 = arith.cmpf olt, %parallel_loop3A_203, %parallel_loop3A_201 : vector<16xf32>
      %parallel_loop3A_240 = arith.select %parallel_loop3A_239, %parallel_loop3A_203, %parallel_loop3A_201 : vector<16xi1>, vector<16xf32>
      %parallel_loop3A_241 = arith.select %parallel_loop3A_239, %parallel_loop3A_223, %parallel_loop3A_220 : vector<16xi1>, vector<16xi32>
      %parallel_loop3A_242 = arith.cmpf olt, %parallel_loop3A_207, %parallel_loop3A_205 : vector<16xf32>
      %parallel_loop3A_243 = arith.select %parallel_loop3A_242, %parallel_loop3A_207, %parallel_loop3A_205 : vector<16xi1>, vector<16xf32>
      %parallel_loop3A_244 = arith.select %parallel_loop3A_242, %parallel_loop3A_229, %parallel_loop3A_226 : vector<16xi1>, vector<16xi32>
      %parallel_loop3A_245 = arith.cmpf olt, %parallel_loop3A_211, %parallel_loop3A_209 : vector<16xf32>
      %parallel_loop3A_246 = arith.select %parallel_loop3A_245, %parallel_loop3A_211, %parallel_loop3A_209 : vector<16xi1>, vector<16xf32>
      %parallel_loop3A_247 = arith.select %parallel_loop3A_245, %parallel_loop3A_235, %parallel_loop3A_232 : vector<16xi1>, vector<16xi32>
      %parallel_loop3A_248 = arith.cmpf olt, %parallel_loop3A_240, %parallel_loop3A_237 : vector<16xf32>
      %parallel_loop3A_249 = arith.select %parallel_loop3A_248, %parallel_loop3A_240, %parallel_loop3A_237 : vector<16xi1>, vector<16xf32>
      %parallel_loop3A_250 = arith.select %parallel_loop3A_248, %parallel_loop3A_241, %parallel_loop3A_238 : vector<16xi1>, vector<16xi32>
      %parallel_loop3A_251 = arith.cmpf olt, %parallel_loop3A_246, %parallel_loop3A_243 : vector<16xf32>
      %parallel_loop3A_252 = arith.select %parallel_loop3A_251, %parallel_loop3A_246, %parallel_loop3A_243 : vector<16xi1>, vector<16xf32>
      %parallel_loop3A_253 = arith.select %parallel_loop3A_251, %parallel_loop3A_247, %parallel_loop3A_244 : vector<16xi1>, vector<16xi32>
      %parallel_loop3A_254 = arith.cmpf olt, %parallel_loop3A_252, %parallel_loop3A_249 : vector<16xf32>
      %parallel_loop3A_255 = arith.select %parallel_loop3A_254, %parallel_loop3A_252, %parallel_loop3A_249 : vector<16xi1>, vector<16xf32>
      %parallel_loop3A_256 = arith.select %parallel_loop3A_254, %parallel_loop3A_253, %parallel_loop3A_250 : vector<16xi1>, vector<16xi32>
      %parallel_loop3A_257 = arith.index_cast %parallel_loop3A_193 : i32 to index
      %parallel_loop3A_258 = tpu.vector_load %arg7[%parallel_loop3A_257] {strides = array<i32>} : memref<8192xi32, #tpu.memory_space<vmem>>, vector<16xi32>,
      tpu.vector_store %arg7[%parallel_loop3A_257], %parallel_loop3A_256 {strides = array<i32>} : memref<8192xi32, #tpu.memory_space<vmem>>, vector<16xi32>,
    } {sc.loop_unroll_factor = 4 : i64, sc.parallel_access}
    %dma_wait3A_153 = arith.constant 0 : i32
    %dma_wait3A_154 = tpu.memref_slice %arg3[%convert_element_type3A, %dma_wait3A_153] : memref<2x6160xi32, #tpu.memory_space<hbm>> -> memref<1x6160xi32, #tpu.memory_space<hbm>>
    %dma_wait3A_155 = tpu.memref_squeeze %dma_wait3A_154 : memref<1x6160xi32, #tpu.memory_space<hbm>> -> memref<6160xi32, #tpu.memory_space<hbm>>
    %dma_wait3A_156 = arith.constant 0 : i32
    %dma_wait3A_157 = tpu.memref_slice %arg3[%convert_element_type3A, %dma_wait3A_156] : memref<2x6160xi32, #tpu.memory_space<hbm>> -> memref<1x6160xi32, #tpu.memory_space<hbm>>
    %dma_wait3A_158 = tpu.memref_squeeze %dma_wait3A_157 : memref<1x6160xi32, #tpu.memory_space<hbm>> -> memref<6160xi32, #tpu.memory_space<hbm>>
    tpu.wait_dma2 semaphore(%arg12 : memref<!tpu.dma_semaphore, #tpu.memory_space<semaphore_mem>>) src(%dma_wait3A_158 : memref<6160xi32, #tpu.memory_space<hbm>>) dst(%arg8 : memref<6160xi32, #tpu.memory_space<vmem>>)
    %parallel_loop3A_159 = arith.constant 0 : i32
    %parallel_loop3A_160 = arith.constant 6128 : i32
    %parallel_loop3A_161 = arith.constant 16 : i32
    scf.for %parallel_loop3A_191 = %parallel_loop3A_159 to %parallel_loop3A_160 step %parallel_loop3A_161  : i32 {
      %parallel_loop3A_192 = arith.index_cast %parallel_loop3A_191 : i32 to index
      %parallel_loop3A_193 = tpu.vector_load %arg8[%parallel_loop3A_192] {strides = array<i32>} : memref<6160xi32, #tpu.memory_space<vmem>>, vector<16xi32>,
      %parallel_loop3A_194 = arith.constant 1 : i32
      %parallel_loop3A_195 = arith.addi %parallel_loop3A_191, %parallel_loop3A_194 : i32
      %parallel_loop3A_196 = arith.index_cast %parallel_loop3A_195 : i32 to index
      %parallel_loop3A_197 = tpu.vector_load %arg8[%parallel_loop3A_196] {strides = array<i32>} : memref<6160xi32, #tpu.memory_space<vmem>>, vector<16xi32>,
      %parallel_loop3A_198 = tpu.vector_load_idx %arg7[%parallel_loop3A_193] : memref<8192xi32, #tpu.memory_space<vmem>>[vector<16xi32>], vector<16xi32>,
      %parallel_loop3A_199 = tpu.vector_load_idx %arg7[%parallel_loop3A_197] : memref<8192xi32, #tpu.memory_space<vmem>>[vector<16xi32>], vector<16xi32>,
      %parallel_loop3A_200 = arith.constant 8 : i32
      %parallel_loop3A_201 = vector.broadcast %parallel_loop3A_200 : i32 to vector<16xi32>
      %parallel_loop3A_202 = arith.muli %parallel_loop3A_198, %parallel_loop3A_201 : vector<16xi32>
      %parallel_loop3A_203 = arith.addi %parallel_loop3A_202, %parallel_loop3A_199 : vector<16xi32>
      tpu.vector_store_idx %arg10[%parallel_loop3A_203], %add3A_9 : memref<80xi32, #tpu.memory_space<vmem>>[vector<16xi32>], vector<16xi32>,
    } {sc.loop_unroll_factor = 4 : i64, sc.parallel_access}
    %get3A = arith.constant 6128 : index
    %get3A_162 = tpu.vector_load %arg8[%get3A] {strides = array<i32>} : memref<6160xi32, #tpu.memory_space<vmem>>, vector<16xi32>,
    %get3A_163 = arith.constant 6129 : index
    %get3A_164 = tpu.vector_load %arg8[%get3A_163] {strides = array<i32>} : memref<6160xi32, #tpu.memory_space<vmem>>, vector<16xi32>,
    %gather3A_165 = tpu.vector_load_idx %arg7[%get3A_162] : memref<8192xi32, #tpu.memory_space<vmem>>[vector<16xi32>], vector<16xi32>,
    %gather3A_166 = tpu.vector_load_idx %arg7[%get3A_164] : memref<8192xi32, #tpu.memory_space<vmem>>[vector<16xi32>], vector<16xi32>,
    %mul3A_167 = arith.constant 8 : i32
    %mul3A_168 = vector.broadcast %mul3A_167 : i32 to vector<16xi32>
    %mul3A_169 = arith.muli %gather3A_165, %mul3A_168 : vector<16xi32>
    %add3A_170 = arith.addi %mul3A_169, %gather3A_166 : vector<16xi32>
    %eq3A = arith.constant 0 : i32
    %eq3A_171 = arith.cmpi eq, %convert_element_type3A, %eq3A : i32
    %lt3A = arith.constant 15 : i32
    %lt3A_172 = vector.broadcast %lt3A : i32 to vector<16xi32>
    %lt3A_173 = arith.cmpi slt, %iota3A, %lt3A_172 : vector<16xi32>
    %or3A = vector.broadcast %eq3A_171 : i1 to vector<16xi1>
    %or3A_174 = arith.ori %or3A, %lt3A_173 : vector<16xi1>
    %jit3A = arith.constant 64 : i32
    %broadcast_in_dim3A = vector.broadcast %jit3A : i32 to vector<16xi32>
    %select_n3A = arith.select %or3A_174, %add3A_170, %broadcast_in_dim3A : vector<16xi1>, vector<16xi32>
    tpu.vector_store_idx %arg10[%select_n3A], %add3A_9 : memref<80xi32, #tpu.memory_space<vmem>>[vector<16xi32>], vector<16xi32>,
    %eq3A_175 = arith.constant 1 : i32
    %eq3A_176 = arith.cmpi eq, %convert_element_type3A, %eq3A_175 : i32
    %convert_element_type3A_177 = arith.extui %eq3A_176 : i1 to i32
    %cond3A = arith.constant 0 : i32
    %cond3A_178 = arith.cmpi ne, %convert_element_type3A_177, %cond3A : i32
    scf.if %cond3A_178 {
      %swap3A_191 = arith.constant 64 : index
      %swap3A_192 = tpu.vector_load %arg10[%swap3A_191] {strides = array<i32>} : memref<80xi32, #tpu.memory_space<vmem>>, vector<16xi32>,
      tpu.vector_store %arg10[%swap3A_191], %gather3A_165 {strides = array<i32>} : memref<80xi32, #tpu.memory_space<vmem>>, vector<16xi32>,
    } else {
    }
    %dma_start3A_179 = arith.constant 0 : i32
    %dma_start3A_180 = tpu.memref_slice %arg5[%add3A, %dma_start3A_179] : memref<32x80xi32, #tpu.memory_space<hbm>> -> memref<1x80xi32, #tpu.memory_space<hbm>>
    %dma_start3A_181 = tpu.memref_squeeze %dma_start3A_180 : memref<1x80xi32, #tpu.memory_space<hbm>> -> memref<80xi32, #tpu.memory_space<hbm>>
    %dma_start3A_182 = arith.constant 0 : i32
    %dma_start3A_183 = tpu.memref_slice %arg5[%add3A, %dma_start3A_182] : memref<32x80xi32, #tpu.memory_space<hbm>> -> memref<1x80xi32, #tpu.memory_space<hbm>>
    %dma_start3A_184 = tpu.memref_squeeze %dma_start3A_183 : memref<1x80xi32, #tpu.memory_space<hbm>> -> memref<80xi32, #tpu.memory_space<hbm>>
    tpu.enqueue_dma source(%arg10 : memref<80xi32, #tpu.memory_space<vmem>>) target(%dma_start3A_184 : memref<80xi32, #tpu.memory_space<hbm>>) target_semaphore(%arg11 : memref<!tpu.dma_semaphore, #tpu.memory_space<semaphore_mem>>)
    %dma_wait3A_185 = arith.constant 0 : i32
    %dma_wait3A_186 = tpu.memref_slice %arg5[%add3A, %dma_wait3A_185] : memref<32x80xi32, #tpu.memory_space<hbm>> -> memref<1x80xi32, #tpu.memory_space<hbm>>
    %dma_wait3A_187 = tpu.memref_squeeze %dma_wait3A_186 : memref<1x80xi32, #tpu.memory_space<hbm>> -> memref<80xi32, #tpu.memory_space<hbm>>
    %dma_wait3A_188 = arith.constant 0 : i32
    %dma_wait3A_189 = tpu.memref_slice %arg5[%add3A, %dma_wait3A_188] : memref<32x80xi32, #tpu.memory_space<hbm>> -> memref<1x80xi32, #tpu.memory_space<hbm>>
    %dma_wait3A_190 = tpu.memref_squeeze %dma_wait3A_189 : memref<1x80xi32, #tpu.memory_space<hbm>> -> memref<80xi32, #tpu.memory_space<hbm>>
    tpu.wait_dma2 semaphore(%arg11 : memref<!tpu.dma_semaphore, #tpu.memory_space<semaphore_mem>>) src(%arg10 : memref<80xi32, #tpu.memory_space<vmem>>) dst(%dma_wait3A_190 : memref<80xi32, #tpu.memory_space<hbm>>)
    return
  }
}

module attributes {stable_mosaic.version = 14 : i64} {
  func.func @body(%arg0: memref<64x4096xi32, #tpu.memory_space<vmem>>, %arg1: memref<64x64xf32, #tpu.memory_space<vmem>>) attributes {dimension_semantics = [], scalar_prefetch = 0 : i64, scratch_operands = 0 : i64, tpu.core_type = #tpu.core_type<tc>} {
    %get3A = arith.constant 0 : index
    %get3A_0 = arith.constant 0 : index
    %get3A_1 = vector.load %arg0[%get3A, %get3A_0] : memref<64x4096xi32, #tpu.memory_space<vmem>>, vector<64x4096xi32>
    %slice3A = vector.extract_strided_slice %get3A_1 {offsets = [0, 1], sizes = [64, 4095], strides = [1, 1]} : vector<64x4096xi32> to vector<64x4095xi32>
    %slice3A_2 = vector.extract_strided_slice %get3A_1 {offsets = [0, 0], sizes = [64, 1], strides = [1, 1]} : vector<64x4096xi32> to vector<64x1xi32>
    %concatenate3A = tpu.concatenate %slice3A, %slice3A_2 in 1 : vector<64x4095xi32>, vector<64x1xi32> -> vector<64x4096xi32>
    %mul3A = arith.constant 8 : i32
    %mul3A_3 = vector.broadcast %mul3A : i32 to vector<64x4096xi32>
    %mul3A_4 = arith.muli %get3A_1, %mul3A_3 : vector<64x4096xi32>
    %add3A = arith.addi %mul3A_4, %concatenate3A : vector<64x4096xi32>
    %iota3A = tpu.iota {dimensions = array<i32: 1>} : vector<64x4096xi32>
    %lt3A = arith.constant 4095 : i32
    %lt3A_5 = vector.broadcast %lt3A : i32 to vector<64x4096xi32>
    %lt3A_6 = arith.cmpi slt, %iota3A, %lt3A_5 : vector<64x4096xi32>
    %and3A = arith.constant 31 : i32
    %and3A_7 = vector.broadcast %and3A : i32 to vector<64x4096xi32>
    %and3A_8 = arith.andi %add3A, %and3A_7 : vector<64x4096xi32>
    %broadcast_in_dim3A = arith.constant 1 : i32
    %broadcast_in_dim3A_9 = vector.broadcast %broadcast_in_dim3A : i32 to vector<64x4096xi32>
    %shift_left3A = arith.shli %broadcast_in_dim3A_9, %and3A_8 : vector<64x4096xi32>
    %lt3A_10 = arith.constant 32 : i32
    %lt3A_11 = vector.broadcast %lt3A_10 : i32 to vector<64x4096xi32>
    %lt3A_12 = arith.cmpi slt, %add3A, %lt3A_11 : vector<64x4096xi32>
    %and3A_13 = arith.andi %lt3A_6, %lt3A_12 : vector<64x4096xi1>
    %jit3A = arith.constant 0 : i32
    %broadcast_in_dim3A_14 = vector.broadcast %jit3A : i32 to vector<64x4096xi32>
    %select_n3A = arith.select %and3A_13, %shift_left3A, %broadcast_in_dim3A_14 : vector<64x4096xi1>, vector<64x4096xi32>
    %ge3A = arith.constant 32 : i32
    %ge3A_15 = vector.broadcast %ge3A : i32 to vector<64x4096xi32>
    %ge3A_16 = arith.cmpi sge, %add3A, %ge3A_15 : vector<64x4096xi32>
    %and3A_17 = arith.andi %lt3A_6, %ge3A_16 : vector<64x4096xi1>
    %jit3A_18 = arith.constant 0 : i32
    %broadcast_in_dim3A_19 = vector.broadcast %jit3A_18 : i32 to vector<64x4096xi32>
    %select_n3A_20 = arith.select %and3A_17, %shift_left3A, %broadcast_in_dim3A_19 : vector<64x4096xi1>, vector<64x4096xi32>
    %slice3A_21 = vector.extract_strided_slice %select_n3A {offsets = [0, 0], sizes = [64, 2048], strides = [1, 1]} : vector<64x4096xi32> to vector<64x2048xi32>
    %slice3A_22 = vector.extract_strided_slice %select_n3A {offsets = [0, 2048], sizes = [64, 2048], strides = [1, 1]} : vector<64x4096xi32> to vector<64x2048xi32>
    %or3A = arith.ori %slice3A_21, %slice3A_22 : vector<64x2048xi32>
    %slice3A_23 = vector.extract_strided_slice %select_n3A_20 {offsets = [0, 0], sizes = [64, 2048], strides = [1, 1]} : vector<64x4096xi32> to vector<64x2048xi32>
    %slice3A_24 = vector.extract_strided_slice %select_n3A_20 {offsets = [0, 2048], sizes = [64, 2048], strides = [1, 1]} : vector<64x4096xi32> to vector<64x2048xi32>
    %or3A_25 = arith.ori %slice3A_23, %slice3A_24 : vector<64x2048xi32>
    %slice3A_26 = vector.extract_strided_slice %or3A {offsets = [0, 0], sizes = [64, 1024], strides = [1, 1]} : vector<64x2048xi32> to vector<64x1024xi32>
    %slice3A_27 = vector.extract_strided_slice %or3A {offsets = [0, 1024], sizes = [64, 1024], strides = [1, 1]} : vector<64x2048xi32> to vector<64x1024xi32>
    %or3A_28 = arith.ori %slice3A_26, %slice3A_27 : vector<64x1024xi32>
    %slice3A_29 = vector.extract_strided_slice %or3A_25 {offsets = [0, 0], sizes = [64, 1024], strides = [1, 1]} : vector<64x2048xi32> to vector<64x1024xi32>
    %slice3A_30 = vector.extract_strided_slice %or3A_25 {offsets = [0, 1024], sizes = [64, 1024], strides = [1, 1]} : vector<64x2048xi32> to vector<64x1024xi32>
    %or3A_31 = arith.ori %slice3A_29, %slice3A_30 : vector<64x1024xi32>
    %slice3A_32 = vector.extract_strided_slice %or3A_28 {offsets = [0, 0], sizes = [64, 512], strides = [1, 1]} : vector<64x1024xi32> to vector<64x512xi32>
    %slice3A_33 = vector.extract_strided_slice %or3A_28 {offsets = [0, 512], sizes = [64, 512], strides = [1, 1]} : vector<64x1024xi32> to vector<64x512xi32>
    %or3A_34 = arith.ori %slice3A_32, %slice3A_33 : vector<64x512xi32>
    %slice3A_35 = vector.extract_strided_slice %or3A_31 {offsets = [0, 0], sizes = [64, 512], strides = [1, 1]} : vector<64x1024xi32> to vector<64x512xi32>
    %slice3A_36 = vector.extract_strided_slice %or3A_31 {offsets = [0, 512], sizes = [64, 512], strides = [1, 1]} : vector<64x1024xi32> to vector<64x512xi32>
    %or3A_37 = arith.ori %slice3A_35, %slice3A_36 : vector<64x512xi32>
    %slice3A_38 = vector.extract_strided_slice %or3A_34 {offsets = [0, 0], sizes = [64, 256], strides = [1, 1]} : vector<64x512xi32> to vector<64x256xi32>
    %slice3A_39 = vector.extract_strided_slice %or3A_34 {offsets = [0, 256], sizes = [64, 256], strides = [1, 1]} : vector<64x512xi32> to vector<64x256xi32>
    %or3A_40 = arith.ori %slice3A_38, %slice3A_39 : vector<64x256xi32>
    %slice3A_41 = vector.extract_strided_slice %or3A_37 {offsets = [0, 0], sizes = [64, 256], strides = [1, 1]} : vector<64x512xi32> to vector<64x256xi32>
    %slice3A_42 = vector.extract_strided_slice %or3A_37 {offsets = [0, 256], sizes = [64, 256], strides = [1, 1]} : vector<64x512xi32> to vector<64x256xi32>
    %or3A_43 = arith.ori %slice3A_41, %slice3A_42 : vector<64x256xi32>
    %slice3A_44 = vector.extract_strided_slice %or3A_40 {offsets = [0, 0], sizes = [64, 128], strides = [1, 1]} : vector<64x256xi32> to vector<64x128xi32>
    %slice3A_45 = vector.extract_strided_slice %or3A_40 {offsets = [0, 128], sizes = [64, 128], strides = [1, 1]} : vector<64x256xi32> to vector<64x128xi32>
    %or3A_46 = arith.ori %slice3A_44, %slice3A_45 : vector<64x128xi32>
    %slice3A_47 = vector.extract_strided_slice %or3A_43 {offsets = [0, 0], sizes = [64, 128], strides = [1, 1]} : vector<64x256xi32> to vector<64x128xi32>
    %slice3A_48 = vector.extract_strided_slice %or3A_43 {offsets = [0, 128], sizes = [64, 128], strides = [1, 1]} : vector<64x256xi32> to vector<64x128xi32>
    %or3A_49 = arith.ori %slice3A_47, %slice3A_48 : vector<64x128xi32>
    %slice3A_50 = vector.extract_strided_slice %or3A_46 {offsets = [0, 0], sizes = [64, 64], strides = [1, 1]} : vector<64x128xi32> to vector<64x64xi32>
    %slice3A_51 = vector.extract_strided_slice %or3A_46 {offsets = [0, 64], sizes = [64, 64], strides = [1, 1]} : vector<64x128xi32> to vector<64x64xi32>
    %or3A_52 = arith.ori %slice3A_50, %slice3A_51 : vector<64x64xi32>
    %slice3A_53 = vector.extract_strided_slice %or3A_49 {offsets = [0, 0], sizes = [64, 64], strides = [1, 1]} : vector<64x128xi32> to vector<64x64xi32>
    %slice3A_54 = vector.extract_strided_slice %or3A_49 {offsets = [0, 64], sizes = [64, 64], strides = [1, 1]} : vector<64x128xi32> to vector<64x64xi32>
    %or3A_55 = arith.ori %slice3A_53, %slice3A_54 : vector<64x64xi32>
    %slice3A_56 = vector.extract_strided_slice %or3A_52 {offsets = [0, 0], sizes = [64, 32], strides = [1, 1]} : vector<64x64xi32> to vector<64x32xi32>
    %slice3A_57 = vector.extract_strided_slice %or3A_52 {offsets = [0, 32], sizes = [64, 32], strides = [1, 1]} : vector<64x64xi32> to vector<64x32xi32>
    %or3A_58 = arith.ori %slice3A_56, %slice3A_57 : vector<64x32xi32>
    %slice3A_59 = vector.extract_strided_slice %or3A_55 {offsets = [0, 0], sizes = [64, 32], strides = [1, 1]} : vector<64x64xi32> to vector<64x32xi32>
    %slice3A_60 = vector.extract_strided_slice %or3A_55 {offsets = [0, 32], sizes = [64, 32], strides = [1, 1]} : vector<64x64xi32> to vector<64x32xi32>
    %or3A_61 = arith.ori %slice3A_59, %slice3A_60 : vector<64x32xi32>
    %slice3A_62 = vector.extract_strided_slice %or3A_58 {offsets = [0, 0], sizes = [64, 16], strides = [1, 1]} : vector<64x32xi32> to vector<64x16xi32>
    %slice3A_63 = vector.extract_strided_slice %or3A_58 {offsets = [0, 16], sizes = [64, 16], strides = [1, 1]} : vector<64x32xi32> to vector<64x16xi32>
    %or3A_64 = arith.ori %slice3A_62, %slice3A_63 : vector<64x16xi32>
    %slice3A_65 = vector.extract_strided_slice %or3A_61 {offsets = [0, 0], sizes = [64, 16], strides = [1, 1]} : vector<64x32xi32> to vector<64x16xi32>
    %slice3A_66 = vector.extract_strided_slice %or3A_61 {offsets = [0, 16], sizes = [64, 16], strides = [1, 1]} : vector<64x32xi32> to vector<64x16xi32>
    %or3A_67 = arith.ori %slice3A_65, %slice3A_66 : vector<64x16xi32>
    %slice3A_68 = vector.extract_strided_slice %or3A_64 {offsets = [0, 0], sizes = [64, 8], strides = [1, 1]} : vector<64x16xi32> to vector<64x8xi32>
    %slice3A_69 = vector.extract_strided_slice %or3A_64 {offsets = [0, 8], sizes = [64, 8], strides = [1, 1]} : vector<64x16xi32> to vector<64x8xi32>
    %or3A_70 = arith.ori %slice3A_68, %slice3A_69 : vector<64x8xi32>
    %slice3A_71 = vector.extract_strided_slice %or3A_67 {offsets = [0, 0], sizes = [64, 8], strides = [1, 1]} : vector<64x16xi32> to vector<64x8xi32>
    %slice3A_72 = vector.extract_strided_slice %or3A_67 {offsets = [0, 8], sizes = [64, 8], strides = [1, 1]} : vector<64x16xi32> to vector<64x8xi32>
    %or3A_73 = arith.ori %slice3A_71, %slice3A_72 : vector<64x8xi32>
    %slice3A_74 = vector.extract_strided_slice %or3A_70 {offsets = [0, 0], sizes = [64, 4], strides = [1, 1]} : vector<64x8xi32> to vector<64x4xi32>
    %slice3A_75 = vector.extract_strided_slice %or3A_70 {offsets = [0, 4], sizes = [64, 4], strides = [1, 1]} : vector<64x8xi32> to vector<64x4xi32>
    %or3A_76 = arith.ori %slice3A_74, %slice3A_75 : vector<64x4xi32>
    %slice3A_77 = vector.extract_strided_slice %or3A_73 {offsets = [0, 0], sizes = [64, 4], strides = [1, 1]} : vector<64x8xi32> to vector<64x4xi32>
    %slice3A_78 = vector.extract_strided_slice %or3A_73 {offsets = [0, 4], sizes = [64, 4], strides = [1, 1]} : vector<64x8xi32> to vector<64x4xi32>
    %or3A_79 = arith.ori %slice3A_77, %slice3A_78 : vector<64x4xi32>
    %slice3A_80 = vector.extract_strided_slice %or3A_76 {offsets = [0, 0], sizes = [64, 2], strides = [1, 1]} : vector<64x4xi32> to vector<64x2xi32>
    %slice3A_81 = vector.extract_strided_slice %or3A_76 {offsets = [0, 2], sizes = [64, 2], strides = [1, 1]} : vector<64x4xi32> to vector<64x2xi32>
    %or3A_82 = arith.ori %slice3A_80, %slice3A_81 : vector<64x2xi32>
    %slice3A_83 = vector.extract_strided_slice %or3A_79 {offsets = [0, 0], sizes = [64, 2], strides = [1, 1]} : vector<64x4xi32> to vector<64x2xi32>
    %slice3A_84 = vector.extract_strided_slice %or3A_79 {offsets = [0, 2], sizes = [64, 2], strides = [1, 1]} : vector<64x4xi32> to vector<64x2xi32>
    %or3A_85 = arith.ori %slice3A_83, %slice3A_84 : vector<64x2xi32>
    %slice3A_86 = vector.extract_strided_slice %or3A_82 {offsets = [0, 0], sizes = [64, 1], strides = [1, 1]} : vector<64x2xi32> to vector<64x1xi32>
    %slice3A_87 = vector.extract_strided_slice %or3A_82 {offsets = [0, 1], sizes = [64, 1], strides = [1, 1]} : vector<64x2xi32> to vector<64x1xi32>
    %or3A_88 = arith.ori %slice3A_86, %slice3A_87 : vector<64x1xi32>
    %slice3A_89 = vector.extract_strided_slice %or3A_85 {offsets = [0, 0], sizes = [64, 1], strides = [1, 1]} : vector<64x2xi32> to vector<64x1xi32>
    %slice3A_90 = vector.extract_strided_slice %or3A_85 {offsets = [0, 1], sizes = [64, 1], strides = [1, 1]} : vector<64x2xi32> to vector<64x1xi32>
    %or3A_91 = arith.ori %slice3A_89, %slice3A_90 : vector<64x1xi32>
    %iota3A_92 = tpu.iota {dimensions = array<i32: 1>} : vector<64x32xi32>
    %shift_right_logical3A = vector.broadcast %or3A_88 : vector<64x1xi32> to vector<64x32xi32>
    %shift_right_logical3A_93 = arith.shrui %shift_right_logical3A, %iota3A_92 : vector<64x32xi32>
    %and3A_94 = arith.constant 1 : i32
    %and3A_95 = vector.broadcast %and3A_94 : i32 to vector<64x32xi32>
    %and3A_96 = arith.andi %shift_right_logical3A_93, %and3A_95 : vector<64x32xi32>
    %shift_right_logical3A_97 = vector.broadcast %or3A_91 : vector<64x1xi32> to vector<64x32xi32>
    %shift_right_logical3A_98 = arith.shrui %shift_right_logical3A_97, %iota3A_92 : vector<64x32xi32>
    %and3A_99 = arith.constant 1 : i32
    %and3A_100 = vector.broadcast %and3A_99 : i32 to vector<64x32xi32>
    %and3A_101 = arith.andi %shift_right_logical3A_98, %and3A_100 : vector<64x32xi32>
    %concatenate3A_102 = tpu.concatenate %and3A_96, %and3A_101 in 1 : vector<64x32xi32>, vector<64x32xi32> -> vector<64x64xi32>
    %convert_element_type3A = arith.sitofp %concatenate3A_102 : vector<64x64xi32> to vector<64x64xf32>
    %swap3A = arith.constant 0 : index
    %swap3A_103 = arith.constant 0 : index
    %swap3A_104 = vector.load %arg1[%swap3A, %swap3A_103] : memref<64x64xf32, #tpu.memory_space<vmem>>, vector<64x64xf32>
    tpu.vector_store %arg1[%swap3A, %swap3A_103], %convert_element_type3A {strides = array<i32>} : memref<64x64xf32, #tpu.memory_space<vmem>>, vector<64x64xf32>,
    return
  }
}

module attributes {stable_mosaic.version = 14 : i64} {
  func.func @body(%arg0: memref<32x80xi32, #tpu.memory_space<vmem>>, %arg1: memref<64x64xf32, #tpu.memory_space<vmem>>, %arg2: memref<64x1xi32, #tpu.memory_space<vmem>>, %arg3: memref<16x64xf32, #tpu.memory_space<vmem>>) attributes {dimension_semantics = [], scalar_prefetch = 0 : i64, scratch_operands = 0 : i64, tpu.core_type = #tpu.core_type<tc>} {
    %get3A = arith.constant 0 : index
    %get3A_0 = arith.constant 0 : index
    %get3A_1 = vector.load %arg0[%get3A, %get3A_0] : memref<32x80xi32, #tpu.memory_space<vmem>>, vector<32x80xi32>
    %slice3A = vector.extract_strided_slice %get3A_1 {offsets = [0, 0], sizes = [16, 64], strides = [1, 1]} : vector<32x80xi32> to vector<16x64xi32>
    %slice3A_2 = vector.extract_strided_slice %get3A_1 {offsets = [16, 0], sizes = [16, 64], strides = [1, 1]} : vector<32x80xi32> to vector<16x64xi32>
    %max3A = arith.maxsi %slice3A, %slice3A_2 : vector<16x64xi32>
    %convert_element_type3A = arith.sitofp %max3A : vector<16x64xi32> to vector<16x64xf32>
    %slice3A_3 = vector.extract_strided_slice %get3A_1 {offsets = [16, 79], sizes = [16, 1], strides = [1, 1]} : vector<32x80xi32> to vector<16x1xi32>
    %get3A_4 = arith.constant 0 : index
    %get3A_5 = arith.constant 0 : index
    %get3A_6 = vector.load %arg1[%get3A_4, %get3A_5] : memref<64x64xf32, #tpu.memory_space<vmem>>, vector<64x64xf32>
    %get3A_7 = arith.constant 0 : index
    %get3A_8 = arith.constant 0 : index
    %get3A_9 = vector.load %arg2[%get3A_7, %get3A_8] : memref<64x1xi32, #tpu.memory_space<vmem>>, vector<64x1xi32>
    %reduce_sum3A = arith.constant dense<0.000000e+00> : vector<16xf32>
    %reduce_sum3A_10 = vector.multi_reduction <add>, %convert_element_type3A, %reduce_sum3A [1] : vector<16x64xf32> to vector<16xf32>
    %broadcast_in_dim3A = vector.shape_cast %reduce_sum3A_10 : vector<16xf32> to vector<16x1xf32>
    %reduce_sum3A_11 = arith.constant dense<0.000000e+00> : vector<64xf32>
    %reduce_sum3A_12 = vector.multi_reduction <add>, %get3A_6, %reduce_sum3A_11 [1] : vector<64x64xf32> to vector<64xf32>
    %broadcast_in_dim3A_13 = vector.shape_cast %reduce_sum3A_12 : vector<64xf32> to vector<64x1xf32>
    %broadcast_in_dim3A_14 = arith.constant 1.000000e+00 : f32
    %broadcast_in_dim3A_15 = vector.broadcast %broadcast_in_dim3A_14 : f32 to vector<16x1xf32>
    %dot_general3A = arith.constant dense<0.000000e+00> : vector<16x64xf32>
    %dot_general3A_16 = tpu.matmul %broadcast_in_dim3A_15, %broadcast_in_dim3A_13, %dot_general3A {dimension_numbers = #tpu.dot_dimension_numbers<[1], [1], [0], [0], [0, 0, 1, 0], [], []>, transpose_lhs_hint = false} : vector<16x1xf32>, vector<64x1xf32>, vector<16x64xf32> -> vector<16x64xf32>
    %dot_general3A_17 = arith.constant dense<0.000000e+00> : vector<16x64xf32>
    %dot_general3A_18 = tpu.matmul %convert_element_type3A, %get3A_6, %dot_general3A_17 {dimension_numbers = #tpu.dot_dimension_numbers<[1], [1], [0], [0], [0, 0, 1, 0], [], []>, transpose_lhs_hint = false} : vector<16x64xf32>, vector<64x64xf32>, vector<16x64xf32> -> vector<16x64xf32>
    %iota3A = tpu.iota {dimensions = array<i32: 1>} : vector<16x8xi32>
    %eq3A = vector.broadcast %slice3A_3 : vector<16x1xi32> to vector<16x8xi32>
    %eq3A_19 = arith.cmpi eq, %eq3A, %iota3A : vector<16x8xi32>
    %convert_element_type3A_20 = arith.extui %eq3A_19 : vector<16x8xi1> to vector<16x8xi32>
    %convert_element_type3A_21 = arith.sitofp %convert_element_type3A_20 : vector<16x8xi32> to vector<16x8xf32>
    %iota3A_22 = tpu.iota {dimensions = array<i32: 1>} : vector<64x8xi32>
    %eq3A_23 = vector.broadcast %get3A_9 : vector<64x1xi32> to vector<64x8xi32>
    %eq3A_24 = arith.cmpi eq, %eq3A_23, %iota3A_22 : vector<64x8xi32>
    %convert_element_type3A_25 = arith.extui %eq3A_24 : vector<64x8xi1> to vector<64x8xi32>
    %convert_element_type3A_26 = arith.sitofp %convert_element_type3A_25 : vector<64x8xi32> to vector<64x8xf32>
    %slice3A_27 = vector.extract_strided_slice %convert_element_type3A_21 {offsets = [0, 0], sizes = [16, 1], strides = [1, 1]} : vector<16x8xf32> to vector<16x1xf32>
    %slice3A_28 = vector.extract_strided_slice %convert_element_type3A {offsets = [0, 0], sizes = [16, 8], strides = [1, 1]} : vector<16x64xf32> to vector<16x8xf32>
    %mul3A = vector.broadcast %slice3A_27 : vector<16x1xf32> to vector<16x8xf32>
    %mul3A_29 = arith.mulf %mul3A, %slice3A_28 : vector<16x8xf32>
    %slice3A_30 = vector.extract_strided_slice %convert_element_type3A_21 {offsets = [0, 1], sizes = [16, 1], strides = [1, 1]} : vector<16x8xf32> to vector<16x1xf32>
    %slice3A_31 = vector.extract_strided_slice %convert_element_type3A {offsets = [0, 8], sizes = [16, 8], strides = [1, 1]} : vector<16x64xf32> to vector<16x8xf32>
    %mul3A_32 = vector.broadcast %slice3A_30 : vector<16x1xf32> to vector<16x8xf32>
    %mul3A_33 = arith.mulf %mul3A_32, %slice3A_31 : vector<16x8xf32>
    %add3A = arith.addf %mul3A_29, %mul3A_33 : vector<16x8xf32>
    %slice3A_34 = vector.extract_strided_slice %convert_element_type3A_21 {offsets = [0, 2], sizes = [16, 1], strides = [1, 1]} : vector<16x8xf32> to vector<16x1xf32>
    %slice3A_35 = vector.extract_strided_slice %convert_element_type3A {offsets = [0, 16], sizes = [16, 8], strides = [1, 1]} : vector<16x64xf32> to vector<16x8xf32>
    %mul3A_36 = vector.broadcast %slice3A_34 : vector<16x1xf32> to vector<16x8xf32>
    %mul3A_37 = arith.mulf %mul3A_36, %slice3A_35 : vector<16x8xf32>
    %add3A_38 = arith.addf %add3A, %mul3A_37 : vector<16x8xf32>
    %slice3A_39 = vector.extract_strided_slice %convert_element_type3A_21 {offsets = [0, 3], sizes = [16, 1], strides = [1, 1]} : vector<16x8xf32> to vector<16x1xf32>
    %slice3A_40 = vector.extract_strided_slice %convert_element_type3A {offsets = [0, 24], sizes = [16, 8], strides = [1, 1]} : vector<16x64xf32> to vector<16x8xf32>
    %mul3A_41 = vector.broadcast %slice3A_39 : vector<16x1xf32> to vector<16x8xf32>
    %mul3A_42 = arith.mulf %mul3A_41, %slice3A_40 : vector<16x8xf32>
    %add3A_43 = arith.addf %add3A_38, %mul3A_42 : vector<16x8xf32>
    %slice3A_44 = vector.extract_strided_slice %convert_element_type3A_21 {offsets = [0, 4], sizes = [16, 1], strides = [1, 1]} : vector<16x8xf32> to vector<16x1xf32>
    %slice3A_45 = vector.extract_strided_slice %convert_element_type3A {offsets = [0, 32], sizes = [16, 8], strides = [1, 1]} : vector<16x64xf32> to vector<16x8xf32>
    %mul3A_46 = vector.broadcast %slice3A_44 : vector<16x1xf32> to vector<16x8xf32>
    %mul3A_47 = arith.mulf %mul3A_46, %slice3A_45 : vector<16x8xf32>
    %add3A_48 = arith.addf %add3A_43, %mul3A_47 : vector<16x8xf32>
    %slice3A_49 = vector.extract_strided_slice %convert_element_type3A_21 {offsets = [0, 5], sizes = [16, 1], strides = [1, 1]} : vector<16x8xf32> to vector<16x1xf32>
    %slice3A_50 = vector.extract_strided_slice %convert_element_type3A {offsets = [0, 40], sizes = [16, 8], strides = [1, 1]} : vector<16x64xf32> to vector<16x8xf32>
    %mul3A_51 = vector.broadcast %slice3A_49 : vector<16x1xf32> to vector<16x8xf32>
    %mul3A_52 = arith.mulf %mul3A_51, %slice3A_50 : vector<16x8xf32>
    %add3A_53 = arith.addf %add3A_48, %mul3A_52 : vector<16x8xf32>
    %slice3A_54 = vector.extract_strided_slice %convert_element_type3A_21 {offsets = [0, 6], sizes = [16, 1], strides = [1, 1]} : vector<16x8xf32> to vector<16x1xf32>
    %slice3A_55 = vector.extract_strided_slice %convert_element_type3A {offsets = [0, 48], sizes = [16, 8], strides = [1, 1]} : vector<16x64xf32> to vector<16x8xf32>
    %mul3A_56 = vector.broadcast %slice3A_54 : vector<16x1xf32> to vector<16x8xf32>
    %mul3A_57 = arith.mulf %mul3A_56, %slice3A_55 : vector<16x8xf32>
    %add3A_58 = arith.addf %add3A_53, %mul3A_57 : vector<16x8xf32>
    %slice3A_59 = vector.extract_strided_slice %convert_element_type3A_21 {offsets = [0, 7], sizes = [16, 1], strides = [1, 1]} : vector<16x8xf32> to vector<16x1xf32>
    %slice3A_60 = vector.extract_strided_slice %convert_element_type3A {offsets = [0, 56], sizes = [16, 8], strides = [1, 1]} : vector<16x64xf32> to vector<16x8xf32>
    %mul3A_61 = vector.broadcast %slice3A_59 : vector<16x1xf32> to vector<16x8xf32>
    %mul3A_62 = arith.mulf %mul3A_61, %slice3A_60 : vector<16x8xf32>
    %add3A_63 = arith.addf %add3A_58, %mul3A_62 : vector<16x8xf32>
    %dot_general3A_64 = arith.constant dense<0.000000e+00> : vector<16x64xf32>
    %dot_general3A_65 = tpu.matmul %add3A_63, %convert_element_type3A_26, %dot_general3A_64 {dimension_numbers = #tpu.dot_dimension_numbers<[1], [1], [0], [0], [0, 0, 1, 0], [], []>, transpose_lhs_hint = false} : vector<16x8xf32>, vector<64x8xf32>, vector<16x64xf32> -> vector<16x64xf32>
    %slice3A_66 = vector.extract_strided_slice %get3A_6 {offsets = [0, 0], sizes = [64, 8], strides = [1, 1]} : vector<64x64xf32> to vector<64x8xf32>
    %mul3A_67 = arith.mulf %convert_element_type3A_26, %slice3A_66 : vector<64x8xf32>
    %reduce_sum3A_68 = arith.constant dense<0.000000e+00> : vector<64xf32>
    %reduce_sum3A_69 = vector.multi_reduction <add>, %mul3A_67, %reduce_sum3A_68 [1] : vector<64x8xf32> to vector<64xf32>
    %broadcast_in_dim3A_70 = vector.shape_cast %reduce_sum3A_69 : vector<64xf32> to vector<64x1xf32>
    %slice3A_71 = vector.extract_strided_slice %get3A_6 {offsets = [0, 8], sizes = [64, 8], strides = [1, 1]} : vector<64x64xf32> to vector<64x8xf32>
    %mul3A_72 = arith.mulf %convert_element_type3A_26, %slice3A_71 : vector<64x8xf32>
    %reduce_sum3A_73 = arith.constant dense<0.000000e+00> : vector<64xf32>
    %reduce_sum3A_74 = vector.multi_reduction <add>, %mul3A_72, %reduce_sum3A_73 [1] : vector<64x8xf32> to vector<64xf32>
    %broadcast_in_dim3A_75 = vector.shape_cast %reduce_sum3A_74 : vector<64xf32> to vector<64x1xf32>
    %slice3A_76 = vector.extract_strided_slice %get3A_6 {offsets = [0, 16], sizes = [64, 8], strides = [1, 1]} : vector<64x64xf32> to vector<64x8xf32>
    %mul3A_77 = arith.mulf %convert_element_type3A_26, %slice3A_76 : vector<64x8xf32>
    %reduce_sum3A_78 = arith.constant dense<0.000000e+00> : vector<64xf32>
    %reduce_sum3A_79 = vector.multi_reduction <add>, %mul3A_77, %reduce_sum3A_78 [1] : vector<64x8xf32> to vector<64xf32>
    %broadcast_in_dim3A_80 = vector.shape_cast %reduce_sum3A_79 : vector<64xf32> to vector<64x1xf32>
    %slice3A_81 = vector.extract_strided_slice %get3A_6 {offsets = [0, 24], sizes = [64, 8], strides = [1, 1]} : vector<64x64xf32> to vector<64x8xf32>
    %mul3A_82 = arith.mulf %convert_element_type3A_26, %slice3A_81 : vector<64x8xf32>
    %reduce_sum3A_83 = arith.constant dense<0.000000e+00> : vector<64xf32>
    %reduce_sum3A_84 = vector.multi_reduction <add>, %mul3A_82, %reduce_sum3A_83 [1] : vector<64x8xf32> to vector<64xf32>
    %broadcast_in_dim3A_85 = vector.shape_cast %reduce_sum3A_84 : vector<64xf32> to vector<64x1xf32>
    %slice3A_86 = vector.extract_strided_slice %get3A_6 {offsets = [0, 32], sizes = [64, 8], strides = [1, 1]} : vector<64x64xf32> to vector<64x8xf32>
    %mul3A_87 = arith.mulf %convert_element_type3A_26, %slice3A_86 : vector<64x8xf32>
    %reduce_sum3A_88 = arith.constant dense<0.000000e+00> : vector<64xf32>
    %reduce_sum3A_89 = vector.multi_reduction <add>, %mul3A_87, %reduce_sum3A_88 [1] : vector<64x8xf32> to vector<64xf32>
    %broadcast_in_dim3A_90 = vector.shape_cast %reduce_sum3A_89 : vector<64xf32> to vector<64x1xf32>
    %slice3A_91 = vector.extract_strided_slice %get3A_6 {offsets = [0, 40], sizes = [64, 8], strides = [1, 1]} : vector<64x64xf32> to vector<64x8xf32>
    %mul3A_92 = arith.mulf %convert_element_type3A_26, %slice3A_91 : vector<64x8xf32>
    %reduce_sum3A_93 = arith.constant dense<0.000000e+00> : vector<64xf32>
    %reduce_sum3A_94 = vector.multi_reduction <add>, %mul3A_92, %reduce_sum3A_93 [1] : vector<64x8xf32> to vector<64xf32>
    %broadcast_in_dim3A_95 = vector.shape_cast %reduce_sum3A_94 : vector<64xf32> to vector<64x1xf32>
    %slice3A_96 = vector.extract_strided_slice %get3A_6 {offsets = [0, 48], sizes = [64, 8], strides = [1, 1]} : vector<64x64xf32> to vector<64x8xf32>
    %mul3A_97 = arith.mulf %convert_element_type3A_26, %slice3A_96 : vector<64x8xf32>
    %reduce_sum3A_98 = arith.constant dense<0.000000e+00> : vector<64xf32>
    %reduce_sum3A_99 = vector.multi_reduction <add>, %mul3A_97, %reduce_sum3A_98 [1] : vector<64x8xf32> to vector<64xf32>
    %broadcast_in_dim3A_100 = vector.shape_cast %reduce_sum3A_99 : vector<64xf32> to vector<64x1xf32>
    %slice3A_101 = vector.extract_strided_slice %get3A_6 {offsets = [0, 56], sizes = [64, 8], strides = [1, 1]} : vector<64x64xf32> to vector<64x8xf32>
    %mul3A_102 = arith.mulf %convert_element_type3A_26, %slice3A_101 : vector<64x8xf32>
    %reduce_sum3A_103 = arith.constant dense<0.000000e+00> : vector<64xf32>
    %reduce_sum3A_104 = vector.multi_reduction <add>, %mul3A_102, %reduce_sum3A_103 [1] : vector<64x8xf32> to vector<64xf32>
    %broadcast_in_dim3A_105 = vector.shape_cast %reduce_sum3A_104 : vector<64xf32> to vector<64x1xf32>
    %concatenate3A = tpu.concatenate %broadcast_in_dim3A_70, %broadcast_in_dim3A_75, %broadcast_in_dim3A_80, %broadcast_in_dim3A_85, %broadcast_in_dim3A_90, %broadcast_in_dim3A_95, %broadcast_in_dim3A_100, %broadcast_in_dim3A_105 in 1 : vector<64x1xf32>, vector<64x1xf32>, vector<64x1xf32>, vector<64x1xf32>, vector<64x1xf32>, vector<64x1xf32>, vector<64x1xf32>, vector<64x1xf32> -> vector<64x8xf32>
    %dot_general3A_106 = arith.constant dense<0.000000e+00> : vector<16x64xf32>
    %dot_general3A_107 = tpu.matmul %convert_element_type3A_21, %concatenate3A, %dot_general3A_106 {dimension_numbers = #tpu.dot_dimension_numbers<[1], [1], [0], [0], [0, 0, 1, 0], [], []>, transpose_lhs_hint = false} : vector<16x8xf32>, vector<64x8xf32>, vector<16x64xf32> -> vector<16x64xf32>
    %max3A_108 = arith.maximumf %dot_general3A_65, %dot_general3A_107 : vector<16x64xf32>
    %add3A_109 = vector.broadcast %broadcast_in_dim3A : vector<16x1xf32> to vector<16x64xf32>
    %add3A_110 = arith.addf %add3A_109, %dot_general3A_16 : vector<16x64xf32>
    %sub3A = arith.subf %add3A_110, %dot_general3A_18 : vector<16x64xf32>
    %sub3A_111 = arith.constant 1.000000e+00 : f32
    %sub3A_112 = vector.broadcast %sub3A_111 : f32 to vector<16x64xf32>
    %sub3A_113 = arith.subf %sub3A_112, %max3A_108 : vector<16x64xf32>
    %add3A_114 = arith.addf %sub3A, %sub3A_113 : vector<16x64xf32>
    %min3A = vector.broadcast %broadcast_in_dim3A : vector<16x1xf32> to vector<16x64xf32>
    %min3A_115 = arith.minimumf %min3A, %dot_general3A_16 : vector<16x64xf32>
    %max3A_116 = vector.broadcast %broadcast_in_dim3A : vector<16x1xf32> to vector<16x64xf32>
    %max3A_117 = arith.maximumf %max3A_116, %dot_general3A_16 : vector<16x64xf32>
    %sub3A_118 = arith.subf %add3A_114, %min3A_115 : vector<16x64xf32>
    %div3A = arith.divf %sub3A_118, %max3A_117 : vector<16x64xf32>
    %swap3A = arith.constant 0 : index
    %swap3A_119 = arith.constant 0 : index
    %swap3A_120 = vector.load %arg3[%swap3A, %swap3A_119] : memref<16x64xf32, #tpu.memory_space<vmem>>, vector<16x64xf32>
    tpu.vector_store %arg3[%swap3A, %swap3A_119], %div3A {strides = array<i32>} : memref<16x64xf32, #tpu.memory_space<vmem>>, vector<16x64xf32>,
    return
  }
}

</mosaic_0001>

<sc_bundles>
// kernel: kernel.5.cloned.1.call-start
scs
__scs_entry_jumppad:
0x0: {  	(pc) =	sbr.rel $0x88, $3  }
0x1: {  	(tag) =	ssettag $0x0;
	lr =	simm.s32 $0x1  }
0x2: {  	[smem:$0x3F9D] =	sst lr;
	_ =	strace $0xD0000000  }
0x3: {  	_ = 	snop  }
0x4: {  	_ = 	snop  }
0x5: {  	_ = 	snop  }
0x6: {  	_ = 	snop  }
0x7: {  	_ = 	snop  }
__scs_overlays_trampoline_lowered:
0x8: {  	[smem:$0x3FAC] =	sst s0  }
0x9: {  	[smem:$0x3FAD] =	sst s1  }
0xa: {  	[smem:$0x3FAE] =	sst s2  }
0xb: {  	[smem:$0x3FAF] =	sst s3  }
0xc: {  	[smem:$0x3FB0] =	sst s4  }
0xd: {  	[smem:$0x3FB1] =	sst s5  }
0xe: {  	[smem:$0x3FB2] =	sst s6  }
0xf: {  	[smem:$0x3FB3] =	sst s7  }
0x10: {  	[smem:$0x3FB4] =	sst s8  }
0x11: {  	[smem:$0x3FB5] =	sst s9;
	s0 =	simm.s32 @!p0 $0x0  }
0x12: {  	s1 =	sld [smem:$0x3F9B];
	s0 =	simm.s32 @p0 $0x1  }
0x13: {  	[smem:$0x3FB6] =	sst s0;
	s0 =	simm.s32 @!p1 $0x0  }
0x14: {  	s2 =	sld [smem:$0x3F9A];
	s0 =	simm.s32 @p1 $0x1  }
0x15: {  	[smem:$0x3FB7] =	sst s0;
	s0 =	simm.s32 @!p2 $0x0  }
0x16: {  	s3 =	sld [smem:$0x3FDB];
	s0 =	simm.s32 @p2 $0x1  }
0x17: {  	s4 =	simm.s32 $0x1BF5;
	[smem:$0x3FB9] =	sst s0  }
0x18: {  	s0 =	sld [smem:$0x3F9C];
	_ =	swait.ge [sflag:s4], $0x0  }
0x19: {  	s7 =	sld [smem:$0x3F9D]  }
0x1a: {  	s8 =	sadd.s32 $0xFFFFE003, lr  }
0x1b: {  	s9 =	sadd.s32 $0xFFFFFEF7, lr;
	s5 =	simm.s32 $0xFFFFFFFF;
	p2 =	slt.u32 s8, $0xFFFFF086  }
0x1c: {  	p1 =	slt.u32 s9, $0xF7A;
	s5 =	simm.s32 @!p2 $0x0  }
0x1d: {  	s5 =	simm.s32 @p1 $0x1;
	p0 =	seq.s32 s7, s2  }
0x1e: {  	s7 =	smul.u32 @!p0 $0xF7A, s2;
	p2 =	seq.s32 @!p0 s5, $0x0  }
0x1f: {  	s9 =	smul.u32 $0xF7A, s1;
	s8 =	simm.s32 @!p0 $0x1BF5;
	p2 =	por !p2, p0  }
0x20: {  	[sflag:s8] =	ssyncset.s32 @!p0 $0xFFFFF086;
	s6 =	sadd.s32 @!p0 s3, s7;
	s7 =	simm.s32 @!p0 $0x108  }
0x21: {  	s3 =	sadd.s32 s3, s9;
	s6 =	sadd.s32 @!p0 $0x88, s6;
	s7 =	simm.s32 @p2 $0x1082  }
0x22: {  	[simem:s7], [sflag:s8] =	dma.local @!p0 [hbm:s6], $0xF7A  }
0x23: {  	s9 =	sor.u32 $0xD0000000, s2;
	s6 =	simm.s32 $0x108;
	_ =	swait.ge @!p0 [sflag:s8], $0x0  }
0x24: {  	s3 =	sadd.s32 $0x88, s3;
	s6 =	simm.s32 @!p1 $0x1082;
	[sflag:s4] =	ssyncset.s32 $0xFFFFF086  }
0x25: {  	[simem:s6], [sflag:s4] =	dma.local [hbm:s3], $0xF7A  }
0x26: {  	[smem:$0x3F9D] =	sst s1;
	(tag) =	ssettag s2;
	_ =	strace s9  }
0x27: {  	s1 =	sld [smem:$0x3FAD]  }
0x28: {  	s2 =	sld [smem:$0x3FAE]  }
0x29: {  	s4 =	sld [smem:$0x3FB0]  }
0x2a: {  	p0 =	seq.s32 s5, $0x0;
	s5 =	sld [smem:$0x3FB1]  }
0x2b: {  	s6 =	sld [smem:$0x3FB2]  }
0x2c: {  	s7 =	sld [smem:$0x3FB3]  }
0x2d: {  	s3 =	simm.s32 $0x108;
	s8 =	sld [smem:$0x3FB4]  }
0x2e: {  	s3 =	simm.s32 @!p0 $0x1082;
	s9 =	sld [smem:$0x3FB5]  }
0x2f: {  	lr =	sadd.s32 s0, s3;
	s0 =	sld [smem:$0x3FAC]  }
0x30: {  	s3 =	sld [smem:$0x3FAF]  }
0x31: {  	[smem:$0x3FB8] =	sst s10  }
0x32: {  	s10 =	sld [smem:$0x3FB6];
	_ =	sdelay $0x3  }
0x33: {  	p0 =	seq.s32 s10, $0x1;
	s10 =	sld [smem:$0x3FB8];
	_ =	sdelay $0x3  }
0x34: {  	[smem:$0x3FB8] =	sst s10  }
0x35: {  	s10 =	sld [smem:$0x3FB7];
	_ =	sdelay $0x3  }
0x36: {  	p1 =	seq.s32 s10, $0x1;
	s10 =	sld [smem:$0x3FB8];
	_ =	sdelay $0x3  }
0x37: {  	[smem:$0x3FB8] =	sst s10  }
0x38: {  	s10 =	sld [smem:$0x3FB9]  }
0x39: {  	_ = 	snop;
	(pc) =	sbr.ind lr, $3  }
0x3a: {  	_ = 	snop  }
0x3b: {  	_ = 	snop  }
0x3c: {  	p2 =	seq.s32 s10, $0x1;
	s10 =	sld [smem:$0x3FB8]  }
0x3d: {  	_ =	shalt  }
0x3e: {  	_ =	shalt  }
0x3f: {  	_ =	shalt  }
0x40: {  	_ =	shalt  }
0x41: {  	_ =	shalt  }
0x42: {  	_ =	shalt  }
0x43: {  	_ =	shalt  }
0x44: {  	_ =	shalt  }
0x45: {  	_ =	shalt  }
0x46: {  	_ =	shalt  }
0x47: {  	_ =	shalt  }
0x48: {  	_ =	shalt  }
0x49: {  	_ =	shalt  }
0x4a: {  	_ =	shalt  }
0x4b: {  	_ =	shalt  }
0x4c: {  	_ =	shalt  }
0x4d: {  	_ =	shalt  }
0x4e: {  	_ =	shalt  }
0x4f: {  	_ =	shalt  }
0x50: {  	_ =	shalt  }
0x51: {  	_ =	shalt  }
0x52: {  	_ =	shalt  }
0x53: {  	_ =	shalt  }
0x54: {  	_ =	shalt  }
0x55: {  	_ =	shalt  }
0x56: {  	_ =	shalt  }
0x57: {  	_ =	shalt  }
0x58: {  	_ =	shalt  }
0x59: {  	_ =	shalt  }
0x5a: {  	_ =	shalt  }
0x5b: {  	_ =	shalt  }
0x5c: {  	_ =	shalt  }
0x5d: {  	_ =	shalt  }
0x5e: {  	_ =	shalt  }
0x5f: {  	_ =	shalt  }
0x60: {  	_ =	shalt  }
0x61: {  	_ =	shalt  }
0x62: {  	_ =	shalt  }
0x63: {  	_ =	shalt  }
0x64: {  	_ =	shalt  }
0x65: {  	_ =	shalt  }
0x66: {  	_ =	shalt  }
0x67: {  	_ =	shalt  }
0x68: {  	_ =	shalt  }
0x69: {  	_ =	shalt  }
0x6a: {  	_ =	shalt  }
0x6b: {  	_ =	shalt  }
0x6c: {  	_ =	shalt  }
0x6d: {  	_ =	shalt  }
0x6e: {  	_ =	shalt  }
0x6f: {  	_ =	shalt  }
0x70: {  	_ =	shalt  }
0x71: {  	_ =	shalt  }
0x72: {  	_ =	shalt  }
0x73: {  	_ =	shalt  }
0x74: {  	_ =	shalt  }
0x75: {  	_ =	shalt  }
0x76: {  	_ =	shalt  }
0x77: {  	_ =	shalt  }
0x78: {  	_ =	shalt  }
0x79: {  	_ =	shalt  }
0x7a: {  	_ =	shalt  }
0x7b: {  	_ =	shalt  }
0x7c: {  	_ =	shalt  }
0x7d: {  	_ =	shalt  }
0x7e: {  	_ =	shalt  }
0x7f: {  	_ =	shalt  }
0x80: {  	_ =	shalt  }
0x81: {  	_ =	shalt  }
0x82: {  	_ =	shalt  }
0x83: {  	_ =	shalt  }
0x84: {  	_ =	shalt  }
0x85: {  	_ =	shalt  }
0x86: {  	_ =	shalt  }
0x87: {  	_ =	shalt  }
.Lfunc_end0:
.L_simem_size_0:
called_computation_lowered:
.L_overlay_start_0:
0x88: {  	s2 =	sld [smem:$0x3FD9]  }
0x89: {  	s3 =	sld [smem:$0x3FFE];
	_ =	sdelay $0x1  }
0x8a: {  	s1 =	srdreg.scid  }
0x8b: {  	s0 =	sand.u32 $0x1, s1  }
0x8c: {  	s17 =	sshll.u32 s0, $0xA;
	s2 =	sadd.s32 s3, s2  }
0x8d: {  	s2 =	sadd.s32 s2, s17  }
0x8e: {  	[smem:$0x3FC4] =	sst s2  }
0x8f: {  	_ = 	snop  }
0x90: {  	s2 =	sld [smem:$0x3FD0];
	(tm) =	ssettm $0x1  }
0x91: {  	s18 =	sld [smem:$0x3FFB];
	_ =	sdelay $0x3  }
0x92: {  	_ =	strace s18  }
0x93: {  	s3 =	sld [smem:$0x3FFC];
	_ =	sdelay $0x3  }
0x94: {  	_ =	strace s3  }
0x95: {  	s3 =	sld [smem:$0x3FFD];
	_ =	sdelay $0x3  }
0x96: {  	_ =	strace s3  }
0x97: {  	_ =	strace $0x8FFFFFFF  }
0x98: {  	s19 =	sld [smem:$0x3FDB];
	_ =	sdelay $0x1  }
0x99: {  	s4 =	simm.s32 $_scs_section_size  }
0x9a: {  	s5 =	simm.s32 $_size__tile_overlayer_lowered;
	s6 =	simm.s32 $_tile_overlayer_lowered  }
0x9b: {  	s22 =	simm.s32 $0x1BFF;
	s21 =	sshll.u32 s6, $0x1;
	s3 =	sadd.s32 s4, s19  }
0x9c: {  	s7 =	simm.s32 $0x0;
	s20 =	sshll.u32 s5, $0x1;
	s5 =	sadd.s32 s21, s3  }
0x9d: {  	[timem:s7], [sflag:s22] =	dma.local [hbm:s5], s20  }
0x9e: {  	_ =	swait.ge [sflag:s22], s20  }
0x9f: {  	s4 =	ssub.s32 $0x0, s20;
	[sflag:s22] =	ssyncset.done $0x0  }
0xa0: {  	[sflag:s22] =	ssyncadd.s32 s4;
	_ =	sdelay $0x1  }
0xa1: {  	s23 =	simm.s32 $0x1B8B  }
0xa2: {  	_ =	swait.ge [sflag:s23], $0x1  }
0xa3: {  	[sflag:s23] =	ssyncset.done $0x0  }
0xa4: {  	s25 =	simm.s32 $0x1B8E;
	s24 =	sld [smem:$0x3FFE];
	[sflag:s23] =	ssyncadd.s32 $0xFFFFFFFF  }
0xa5: {  	s26 =	simm.s32 $execute0_lowered;
	[smem:$0x3FD2] =	sst s25  }
0xa6: {  	s5 =	sshll.u32 s26, $0x1;
	_ =	strace $0x80000046;
	[dreg:$0x1] =	wrdreg $0xFFFFFFFF  }
0xa7: {  	s28 =	simm.s32 $_size_execute0_lowered;
	s3 =	sadd.s32 s3, s5;
	[dreg:$0x0] =	wrdreg $0x0  }
0xa8: {  	s5 =	sshll.u32 s28, $0x1;
	[dreg:$0x2] =	wrdreg s3  }
0xa9: {  	[dreg:$0x3] =	wrdreg s5  }
0xaa: {  	[dreg:$0x4] =	wrdreg $0xC0  }
0xab: {  	_ =	task [dreg:s7], $0x5FFFF  }
0xac: {  	[dreg:$0x1] =	wrdreg $0xFFFFFFFF  }
0xad: {  	[dreg:$0x0] =	wrdreg $0x60  }
0xae: {  	[dreg:$0x2] =	wrdreg s24  }
0xaf: {  	[dreg:$0x3] =	wrdreg s2  }
0xb0: {  	[dreg:$0x4] =	wrdreg $0x9  }
0xb1: {  	_ =	task.clear_ibuf [dreg:s7], $0x5FFFF;
	_ =	strace $0x90000046  }
0xb2: {  	s29 =	simm.s32 $0x9;
	_ =	strace $0x80000048  }
0xb3: {  	_ =	swait.ge [sflag:s29], $0x1  }
0xb4: {  	[sflag:s29] =	ssyncadd.s32 $0xFFFFFFFF  }
0xb5: {  	_ =	strace $0x90000048  }
0xb6: {  	_ =	sfence  }
0xb7: {  	s30 =	sld [smem:$0x0];
	_ =	sdelay $0x2  }
0xb8: {  	s31 =	sshll.u32 s1, $0xD;
	s1 =	sshrl.u32 s1, $0x2  }
0xb9: {  	s3 =	sand.u32 $0x4000, s31;
	s1 =	sadd.s32 s1, s30  }
0xba: {  	s0 =	sor.u32 s3, s0;
	s1 =	sshll.u32 s1, $0x11  }
0xbb: {  	s0 =	sor.u32 s1, s0  }
0xbc: {  	s0 =	sadd.s32 $0x8F2B, s0  }
0xbd: {  	[sflag:s0] =	ssyncadd.remote.s32 $0x1  }
0xbe: {  	_ =	sfence.sel $0xFFFF  }
0xbf: {  	[dreg:$0x0] =	wrdreg $0xFFFFFFFF;
	(pc) =	sbr.abs _section_cstart, $3  }
0xc0: {  	[dreg:$0x1] =	wrdreg $0xFFFFFFFF  }
0xc1: {  	_ =	task.clear_ibuf [dreg:s7], $0x2FFFF;
	_ =	strace $0x9FFFFFFF  }
0xc2: {  	(tm) =	ssettm $0x7FFFFFFF  }
0xc3: {  	_ =	shalt  }
tec
execute0_lowered:
.L_overlay_start_1:
0x0: {  	(tag) =	ssettag $0x1  }
0x1: {  	v0 =	vimm.s32 $0x0  }
0x2: {  	s0 =	stileid.u32;
	vm0 =	vcmask $0x300;
	vm1 =	vmmov $0x7fff;
	v17 =	vimm.s32 $0x0  }
0x3: {  	s1 =	srdreg.scid;
	v18 =	vimm.s32 $0x4;
	v19 =	vimm.s32 $0x6;
	v1 =	vmov s0  }
0x4: {  	v8 =	vsel vm0, $0x3, v0;
	s4 =	sand.u32 $0x1, s1;
	p0 =	slt.u32 s0, $0x8;
	s1 =	simm.s32 $0x8;
	vm0 =	vmxor vm0, vm0;
	v1 =	vshrl.u32 v1, $0x3  }
0x5: {  	s2 =	simm.s32 $0x0;
	v20 =	vimm.s32 $0x1;
	s1 =	simm.s32 @!p0 $0x10;
	vm0 =	vmneg @p0 vm0;
	v9 =	vshll.u32 v1, v8  }
0x6: {  	s6 =	rddreg [dreg:$0x0];
	s8 =	simm.s32 $0x0;
	s10 =	simm.s32 $0x3;
	v7 =	vmov s1;
	vm0 =	vmor vm0, vm1;
	v1 =	vbroadcast v9, $0x0  }
0x7: {  	s11 =	simm.s32 $0x1;
	s12 =	simm.s32 $0x2;
	s13 =	simm.s32 $0x2000;
	v2 =	vadd.s32 $0x1, v9;
	v3 =	vadd.s32 $0x2, v9;
	v4 =	vadd.s32 $0x3, v9  }
0x8: {  	s14 =	simm.s32 $0x5890;
	s15 =	simm.s32 $0x0;
	s31 =	sshll.u32 s0, $0x1;
	v5 =	vadd.s32 $0x4, v9;
	v6 =	vadd.s32 $0x5, v9;
	v10 =	vadd.s32 $0x6, v9  }
0x9: {  	s5 =	sor.u32 s4, s31;
	s2 =	simm.s32 @!p0 $0xFFFFFFF0;
	s8 =	simm.s32 @!p0 $0x1000;
	v11 =	vshrl.u32 v7, $0x3;
	v2 =	vbroadcast v2, $0x0;
	v3 =	vbroadcast v3, $0x0  }
0xa: {  	s4 =	ssub.s32 $0x2, s4;
	s3 =	sadd.s32 s5, s2;
	s2 =	rddreg [dreg:$0x1];
	v9 =	vadd.s32 $0x7, v9;
	v4 =	vbroadcast v4, $0x0;
	v5 =	vbroadcast v5, $0x0  }
0xb: {  	s1 =	rddreg [dreg:$0x2];
	s9 =	sshrl.u32 s4, $0x1;
	s7 =	smul.u32 $0x3000, s3;
	v6 =	vbroadcast v6, $0x0;
	v7 =	vbroadcast v10, $0x0;
	v16 =	vshll.u32 v11, v8  }
0xc: {  	s5 =	smul.u32 $0xA, s5;
	s3 =	simm.s32 $0x0;
	s9 =	ssub.s32 s4, s9;
	v17 =	vsel vm0, $0xFFFFFFFF, v17;
	v8 =	vbroadcast v9, $0x0;
	v9 =	vbroadcast v16, $0x0  }
0xd: {  	[smem:$0x7FF] =	sst s3;
	s7 =	sadd.s32 s8, s7;
	v10 =	vadd.s32 $0x1, v16;
	s8 =	simm.s32 $0x0;
	v11 =	vadd.s32 $0x2, v16;
	v12 =	vadd.s32 $0x3, v16  }
0xe: {  	_ =	strace $0x80000047;
	v13 =	vadd.s32 $0x4, v16;
	v14 =	vadd.s32 $0x5, v16;
	s7 =	sshrl.u32 s7, $0x3;
	v10 =	vbroadcast v10, $0x0;
	s8 =	simm.s32 @!p0 $0x302  }
0xf: {  	v15 =	vadd.s32 $0x6, v16;
	v11 =	vbroadcast v11, $0x0;
	v12 =	vbroadcast v12, $0x0;
	s7 =	sadd.s32 s7, s6;
	s8 =	sadd.s32 s8, s6;
	s6 =	sadd.s32 s5, s6  }
0x10: {  	v16 =	vadd.s32 $0x7, v16;
	v13 =	vbroadcast v13, $0x0;
	v14 =	vbroadcast v14, $0x0;
	s4 =	sadd.s32 $0x1000, s7;
	s5 =	sadd.s32 $0x800, s8;
	s6 =	sadd.s32 $0x7000, s6  }
0x11: {  	[tilespmem:$0x1FFF0] =	vst v17;
	v17 =	vimm.s32 $0x2;
	v15 =	vbroadcast v15, $0x0;
	v16 =	vbroadcast v16, $0x0;
	s7 =	smax.u32 s9, $0x1;
	s8 =	simm.s32 $0x4000;
	s9 =	simm.s32 $0x5810  }
.LBB2_1:
0x12: {  	[tilespmem:s3], [sflag:$0x1] =	stream.linear.gather [hbm4b:s4+s3], $0x2000, $0x38;
	[tilespmem:$0x58E0] =	vst v63  }
0x13: {  	_ = 	snop  }
0x14: {  	[tilespmem:s8], [sflag:$0x2] =	stream.linear.gather [hbm4b:s5+s3], $0x1810, $0x38;
	[tilespmem:$0x58E0] =	vst v63  }
0x15: {  	_ = 	snop  }
0x16: {  	[tilespmem:s9], [sflag:$0x3] =	stream.linear.gather [hbm4b:s2+s3], $0x80, $0x38;
	[tilespmem:$0x58E0] =	vst v63  }
0x17: {  	[tilespmem:$0x5890] =	vst v0  }
0x18: {  	[tilespmem:$0x58A0] =	vst v0  }
0x19: {  	[tilespmem:$0x58B0] =	vst v0  }
0x1a: {  	[tilespmem:$0x58C0] =	vst v0  }
0x1b: {  	[tilespmem:$0x58D0] =	vst v0  }
0x1c: {  	_ =	swait.ge [sflag:s10], $0x80  }
0x1d: {  	[sflag:s10] =	ssyncset.done $0x0  }
0x1e: {  	[sflag:s10] =	ssyncadd.s32 $0xFFFFFF80  }
0x1f: {  	_ =	swait.ge [sflag:s11], $0x2000  }
0x20: {  	[sflag:s11] =	ssyncset.done $0x0  }
0x21: {  	[sflag:s11] =	ssyncadd.s32 $0xFFFFE000  }
0x22: {  	v21 =	vld.idx.msk [tilespmem:v1+s9+$0x0], $0xffff  }
0x23: {  	v22 =	vld.idx.msk [tilespmem:v2+s9+$0x0], $0xffff  }
0x24: {  	v23 =	vld.idx.msk [tilespmem:v3+s9+$0x0], $0xffff  }
0x25: {  	s16 =	simm.s32 $0x20;
	v24 =	vld.idx.msk [tilespmem:v4+s9+$0x0], $0xffff  }
0x26: {  	v29 =	vld [tilespmem:s16+$0x10]  }
0x27: {  	v25 =	vld.idx.msk [tilespmem:v5+s9+$0x0], $0xffff  }
0x28: {  	v26 =	vld.idx.msk [tilespmem:v6+s9+$0x0], $0xffff  }
0x29: {  	v27 =	vld.idx.msk [tilespmem:v7+s9+$0x0], $0xffff  }
0x2a: {  	v28 =	vld.idx.msk [tilespmem:v8+s9+$0x0], $0xffff  }
0x2b: {  	v37 =	vld [tilespmem:s16+$0xFFFFFFE0]  }
0x2c: {  	v30 =	vsub.f32 v29, v21  }
0x2d: {  	v58 =	vld [tilespmem:s16+$0xFFFFFFF0];
	v31 =	vsub.f32 v29, v22;
	v32 =	vsub.f32 v29, v23  }
0x2e: {  	v33 =	vsub.f32 v29, v24;
	v34 =	vsub.f32 v29, v25  }
0x2f: {  	v35 =	vsub.f32 v29, v26;
	v36 =	vsub.f32 v29, v27  }
0x30: {  	v29 =	vsub.f32 v29, v28;
	v60 =	vsub.f32 v37, v24  }
0x31: {  	v63 =	vld [tilespmem:s16+$0x0];
	v61 =	vsub.f32 v37, v25;
	v62 =	vsub.f32 v37, v26  }
0x32: {  	v39 =	vsub.f32 v37, v27;
	v40 =	vsub.f32 v58, v21  }
0x33: {  	v41 =	vsub.f32 v58, v22;
	v42 =	vsub.f32 v58, v23  }
0x34: {  	v43 =	vsub.f32 v58, v24;
	v44 =	vsub.f32 v58, v25  }
0x35: {  	v45 =	vsub.f32 v58, v26;
	v46 =	vsub.f32 v58, v27  }
0x36: {  	v47 =	vsub.f32 v63, v21;
	v48 =	vsub.f32 v63, v22  }
0x37: {  	v49 =	vsub.f32 v63, v23;
	v50 =	vsub.f32 v63, v24  }
0x38: {  	v51 =	vsub.f32 v63, v25;
	v52 =	vsub.f32 v63, v26;
	v30 =	vand.u32 $0x7FFFFFFF, v30  }
0x39: {  	v31 =	vand.u32 $0x7FFFFFFF, v31;
	v32 =	vand.u32 $0x7FFFFFFF, v32;
	v33 =	vand.u32 $0x7FFFFFFF, v33  }
0x3a: {  	v34 =	vand.u32 $0x7FFFFFFF, v34;
	v35 =	vand.u32 $0x7FFFFFFF, v35;
	v36 =	vand.u32 $0x7FFFFFFF, v36  }
0x3b: {  	v29 =	vand.u32 $0x7FFFFFFF, v29;
	v39 =	vand.u32 $0x7FFFFFFF, v39;
	v40 =	vand.u32 $0x7FFFFFFF, v40  }
0x3c: {  	v41 =	vand.u32 $0x7FFFFFFF, v41;
	v42 =	vand.u32 $0x7FFFFFFF, v42;
	v43 =	vand.u32 $0x7FFFFFFF, v43  }
0x3d: {  	v44 =	vand.u32 $0x7FFFFFFF, v44;
	v45 =	vand.u32 $0x7FFFFFFF, v45;
	v46 =	vand.u32 $0x7FFFFFFF, v46  }
0x3e: {  	v47 =	vand.u32 $0x7FFFFFFF, v47;
	v48 =	vand.u32 $0x7FFFFFFF, v48;
	v49 =	vand.u32 $0x7FFFFFFF, v49  }
0x3f: {  	v50 =	vand.u32 $0x7FFFFFFF, v50;
	v51 =	vand.u32 $0x7FFFFFFF, v51;
	v52 =	vand.u32 $0x7FFFFFFF, v52  }
0x40: {  	vm0 =	vlt.f32 v31, v30;
	vm1 =	vlt.f32 v33, v32;
	vm2 =	vlt.f32 v35, v34  }
0x41: {  	vm3 =	vlt.f32 v29, v36;
	vm6 =	vlt.f32 v41, v40;
	vm7 =	vlt.f32 v43, v42  }
0x42: {  	vm8 =	vlt.f32 v45, v44;
	vm4 =	vlt.f32 v48, v47;
	vm5 =	vlt.f32 v50, v49  }
0x43: {  	vm11 =	vlt.f32 v52, v51;
	v30 =	vsel vm0, v31, v30;
	v31 =	vsel vm0, $0x1, v0  }
0x44: {  	v38 =	vsel vm1, $0x3, v17;
	v32 =	vsel vm1, v33, v32;
	v55 =	vsel vm2, v35, v34  }
0x45: {  	v29 =	vsel vm3, v29, v36;
	v56 =	vsel vm2, $0x5, v18;
	v57 =	vsel vm3, $0x7, v19  }
0x46: {  	v33 =	vand.u32 $0x7FFFFFFF, v60;
	v34 =	vand.u32 $0x7FFFFFFF, v61;
	v36 =	vand.u32 $0x7FFFFFFF, v62  }
0x47: {  	v61 =	vsel vm4, v48, v47;
	v62 =	vsel vm5, v50, v49;
	vm0 =	vlt.f32 v32, v30  }
0x48: {  	vm1 =	vlt.f32 v29, v55;
	vm9 =	vlt.f32 v36, v34;
	vm13 =	vlt.f32 v62, v61  }
0x49: {  	v30 =	vsel vm0, v32, v30;
	v29 =	vsel vm1, v29, v55;
	v31 =	vsel vm0, v38, v31  }
0x4a: {  	v59 =	vsel vm1, v57, v56;
	v32 =	vsub.f32 v58, v28;
	v38 =	vsub.f32 v63, v28  }
0x4b: {  	v55 =	vsel vm9, v36, v34;
	v57 =	vsel vm6, v41, v40;
	v58 =	vsel vm7, v43, v42  }
0x4c: {  	v36 =	vsel vm13, v62, v61;
	vm0 =	vlt.f32 v29, v30;
	v29 =	vsub.f32 v37, v21  }
0x4d: {  	v30 =	vsub.f32 v37, v22;
	v35 =	vsel vm0, v59, v31;
	v31 =	vsub.f32 v37, v23  }
0x4e: {  	v37 =	vsub.f32 v37, v28;
	v32 =	vand.u32 $0x7FFFFFFF, v32;
	v38 =	vand.u32 $0x7FFFFFFF, v38  }
0x4f: {  	v59 =	vsel vm8, v45, v44;
	vm0 =	vmmov vm11;
	v29 =	vand.u32 $0x7FFFFFFF, v29  }
0x50: {  	v30 =	vand.u32 $0x7FFFFFFF, v30;
	vm3 =	vlt.f32 v32, v46;
	v31 =	vand.u32 $0x7FFFFFFF, v31  }
0x51: {  	v37 =	vand.u32 $0x7FFFFFFF, v37;
	vm12 =	vlt.f32 v30, v29;
	v60 =	vsel vm3, v32, v46  }
0x52: {  	v30 =	vsel vm12, v30, v29;
	v29 =	vsub.f32 v63, v27;
	vm1 =	vlt.f32 v33, v31  }
0x53: {  	vm15 =	vlt.f32 v37, v39;
	v63 =	vsel vm11, v52, v51;
	vm14 =	vlt.f32 v60, v59  }
0x54: {  	s16 =	simm.s32 $0x2020;
	v31 =	vsel vm1, v33, v31;
	v56 =	vsel vm15, v37, v39;
	v32 =	vsel vm1, $0x3, v17  }
0x55: {  	[tilespmem:s16+$0x10] =	vst v35;
	v34 =	vsel vm15, $0x7, v19;
	v35 =	vsel vm14, v60, v59;
	v29 =	vand.u32 $0x7FFFFFFF, v29  }
0x56: {  	vm10 =	vlt.f32 v31, v30;
	vm11 =	vlt.f32 v56, v55;
	vm2 =	vlt.f32 v38, v29  }
0x57: {  	v31 =	vsel vm10, v31, v30;
	v30 =	vsel vm9, $0x5, v18;
	v38 =	vsel vm2, v38, v29  }
0x58: {  	v29 =	vsel vm12, $0x1, v0;
	vm12 =	vlt.f32 v58, v57;
	vm9 =	vlt.f32 v38, v63  }
0x59: {  	s18 =	simm.s32 $0x0;
	s19 =	simm.s32 $0x60;
	s17 =	simm.s32 $0x2020;
	v37 =	vsel vm11, v56, v55;
	v33 =	vsel vm12, v58, v57;
	v38 =	vsel vm9, v38, v63  }
.LBB2_2:
0x5a: {  	v40 =	vsel vm6, $0x1, v0  }
0x5b: {  	v39 =	vld [tilespmem:s19+$0x10];
	v41 =	vsel vm7, $0x3, v17;
	v42 =	vsel vm8, $0x5, v18;
	v44 =	vsel vm3, $0x7, v19  }
0x5c: {  	v45 =	vsel vm4, $0x1, v0;
	v46 =	vsel vm5, $0x3, v17;
	vm3 =	vlt.f32 v37, v31  }
0x5d: {  	v31 =	vsel vm0, $0x5, v18;
	v62 =	vsel vm2, $0x7, v19;
	v29 =	vsel vm10, v32, v29  }
0x5e: {  	vm2 =	vlt.f32 v35, v33;
	vm1 =	vlt.f32 v38, v36;
	v30 =	vsel vm11, v34, v30  }
0x5f: {  	v48 =	vld [tilespmem:s19+$0xFFFFFFE0];
	v63 =	vsel vm12, v41, v40;
	v44 =	vsel vm14, v44, v42;
	v51 =	vsel vm13, v46, v45  }
0x60: {  	v31 =	vsel vm9, v62, v31;
	v49 =	vsub.f32 v39, v21;
	v50 =	vsub.f32 v39, v22  }
0x61: {  	v29 =	vsel vm3, v30, v29;
	v52 =	vsub.f32 v39, v23;
	v53 =	vsub.f32 v39, v24  }
0x62: {  	[tilespmem:s16+$0xFFFFFFE0] =	vst v29;
	v29 =	vsel vm2, v44, v63;
	v54 =	vsub.f32 v39, v25;
	v55 =	vsub.f32 v39, v26  }
0x63: {  	v43 =	vld [tilespmem:s19+$0xFFFFFFF0];
	v31 =	vsel vm1, v31, v51;
	v30 =	vsub.f32 v39, v27;
	v39 =	vsub.f32 v39, v28  }
0x64: {  	v47 =	vld [tilespmem:s19+$0x0];
	[tilespmem:s17+$0x0] =	vst v31;
	v51 =	vsub.f32 v48, v25;
	v31 =	vsub.f32 v48, v27;
	v56 =	vand.u32 $0x7FFFFFFF, v49  }
0x65: {  	[tilespmem:s16+$0xFFFFFFF0] =	vst v29;
	v57 =	vand.u32 $0x7FFFFFFF, v50;
	v58 =	vand.u32 $0x7FFFFFFF, v52;
	v29 =	vand.u32 $0x7FFFFFFF, v53  }
0x66: {  	v59 =	vand.u32 $0x7FFFFFFF, v54;
	v60 =	vand.u32 $0x7FFFFFFF, v55;
	v49 =	vsub.f32 v48, v23  }
0x67: {  	v30 =	vand.u32 $0x7FFFFFFF, v30;
	v50 =	vsub.f32 v48, v24;
	v52 =	vsub.f32 v48, v26  }
0x68: {  	v61 =	vand.u32 $0x7FFFFFFF, v39;
	v53 =	vsub.f32 v48, v28;
	v54 =	vsub.f32 v43, v21  }
0x69: {  	v55 =	vsub.f32 v43, v22;
	v31 =	vand.u32 $0x7FFFFFFF, v31;
	vm0 =	vlt.f32 v57, v56  }
0x6a: {  	vm2 =	vlt.f32 v29, v58;
	vm3 =	vlt.f32 v60, v59;
	vm4 =	vlt.f32 v61, v30  }
0x6b: {  	v32 =	vsel vm0, v57, v56;
	v62 =	vsel vm0, $0x1, v0;
	v63 =	vsel vm2, $0x3, v17  }
0x6c: {  	v29 =	vsel vm2, v29, v58;
	v41 =	vsel vm3, v60, v59;
	v30 =	vsel vm4, v61, v30  }
0x6d: {  	v42 =	vsel vm3, $0x5, v18;
	v44 =	vsel vm4, $0x7, v19;
	v33 =	vand.u32 $0x7FFFFFFF, v49  }
0x6e: {  	v34 =	vand.u32 $0x7FFFFFFF, v50;
	v56 =	vsub.f32 v43, v24;
	v57 =	vsub.f32 v43, v25  }
0x6f: {  	v58 =	vsub.f32 v43, v26;
	v35 =	vand.u32 $0x7FFFFFFF, v52;
	v59 =	vsub.f32 v43, v27  }
0x70: {  	v60 =	vsub.f32 v47, v21;
	v61 =	vsub.f32 v47, v22;
	v36 =	vand.u32 $0x7FFFFFFF, v53  }
0x71: {  	v49 =	vsub.f32 v47, v24;
	v37 =	vand.u32 $0x7FFFFFFF, v54;
	v50 =	vsub.f32 v47, v25  }
0x72: {  	v38 =	vand.u32 $0x7FFFFFFF, v55;
	v52 =	vsub.f32 v47, v27;
	v53 =	vimm.s32 $0x0  }
0x73: {  	vm0 =	vlt.f32 v29, v32;
	vm2 =	vlt.f32 v30, v41;
	vm10 =	vlt.f32 v36, v31  }
0x74: {  	vm6 =	vlt.f32 v38, v37;
	v29 =	vsel vm0, v29, v32;
	v30 =	vsel vm2, v30, v41  }
0x75: {  	v45 =	vsel vm0, v63, v62;
	v46 =	vsel vm2, v44, v42;
	v63 =	vsub.f32 v43, v23  }
0x76: {  	v43 =	vsub.f32 v43, v28;
	v62 =	vsub.f32 v47, v23;
	v40 =	vand.u32 $0x7FFFFFFF, v56  }
0x77: {  	v41 =	vand.u32 $0x7FFFFFFF, v57;
	v42 =	vand.u32 $0x7FFFFFFF, v58;
	v44 =	vand.u32 $0x7FFFFFFF, v59  }
0x78: {  	v49 =	vand.u32 $0x7FFFFFFF, v49;
	v50 =	vand.u32 $0x7FFFFFFF, v50;
	v52 =	vand.u32 $0x7FFFFFFF, v52  }
0x79: {  	v54 =	vsel vm10, v36, v31;
	v55 =	vsel vm6, v38, v37;
	vm0 =	vlt.f32 v30, v29  }
0x7a: {  	v29 =	vsub.f32 v48, v21;
	v30 =	vsub.f32 v48, v22;
	vm8 =	vlt.f32 v42, v41  }
0x7b: {  	v32 =	vsel vm0, v46, v45;
	v39 =	vand.u32 $0x7FFFFFFF, v63;
	v43 =	vand.u32 $0x7FFFFFFF, v43  }
0x7c: {  	v45 =	vand.u32 $0x7FFFFFFF, v60;
	v46 =	vand.u32 $0x7FFFFFFF, v61;
	v48 =	vand.u32 $0x7FFFFFFF, v62  }
0x7d: {  	s16 =	sadd.s32 $0x40, s16;
	vm0 =	vlt.f32 v34, v33;
	v63 =	vimm.s32 $0x0;
	v57 =	vsel vm8, v42, v41  }
0x7e: {  	[tilespmem:s16+$0x10] =	vst v32;
	v29 =	vand.u32 $0x7FFFFFFF, v29;
	v30 =	vand.u32 $0x7FFFFFFF, v30;
	v32 =	vand.u32 $0x7FFFFFFF, v51  }
0x7f: {  	v51 =	vsub.f32 v47, v26;
	v47 =	vsub.f32 v47, v28;
	v53 =	vsel vm0, $0xFFFFFFFF, v53  }
0x80: {  	vm7 =	vlt.f32 v40, v39;
	vm3 =	vlt.f32 v43, v44;
	vm4 =	vlt.f32 v46, v45  }
0x81: {  	vm5 =	vlt.f32 v49, v48;
	vm15 =	vlt.f32 v30, v29;
	vm1 =	vlt.f32 v35, v32  }
0x82: {  	[tilespmem:$0x1FFD0] =	vst v53;
	v53 =	vsel vm10, $0xFFFFFFFF, v63;
	v56 =	vsel vm7, v40, v39;
	v58 =	vsel vm3, v43, v44  }
0x83: {  	v59 =	vsel vm4, v46, v45;
	v60 =	vsel vm5, v49, v48;
	v51 =	vand.u32 $0x7FFFFFFF, v51  }
0x84: {  	v47 =	vand.u32 $0x7FFFFFFF, v47;
	[tilespmem:$0x1FFE0] =	vst v53;
	v29 =	vsel vm15, v30, v29;
	v30 =	vsel vm0, v34, v33  }
0x85: {  	v32 =	vsel vm1, v35, v32;
	vm12 =	vlt.f32 v56, v55;
	vm10 =	vlt.f32 v30, v29;
	v63 =	vld [tilespmem:$0x1FFE0]  }
0x86: {  	s18 =	sadd.s32 $0x40, s18;
	vm14 =	vlt.f32 v58, v57;
	vm13 =	vlt.f32 v60, v59;
	v31 =	vsel vm10, v30, v29;
	v30 =	vld [tilespmem:$0x1FFD0]  }
0x87: {  	p1 =	slt.u32 s18, $0xFC0;
	vm9 =	vlt.f32 v51, v50;
	vm2 =	vlt.f32 v47, v52;
	vm11 =	vlt.f32 v54, v32  }
.Ltmp0:
0x88: {  	v33 =	vsel vm12, v56, v55;
	v35 =	vsel vm14, v58, v57;
	v36 =	vsel vm13, v60, v59;
	(pc) =	sbr.rel @p1 .LBB2_2-.Ltmp0, $4  }
0x89: {  	vm0 =	vmmov vm9;
	v61 =	vsel vm9, v51, v50;
	v62 =	vsel vm2, v47, v52  }
0x8a: {  	v37 =	vsel vm11, v54, v32;
	v29 =	vsel vm15, $0x1, v0;
	vm9 =	vlt.f32 v62, v61  }
0x8b: {  	vm15 =	vnez.u8 v30;
	v30 =	vsel vm1, $0x5, v18;
	vm1 =	vnez.u8 v63  }
0x8c: {  	s19 =	sadd.s32 $0x40, s19;
	s17 =	smov.u32 s16;
	v38 =	vsel vm9, v62, v61;
	v32 =	vsel vm15, $0x3, v17;
	v34 =	vsel vm1, $0x7, v19  }
0x8d: {  	v21 =	vsel vm6, $0x1, v0  }
0x8e: {  	v22 =	vsel vm7, $0x3, v17;
	v23 =	vsel vm8, $0x5, v18;
	v24 =	vsel vm3, $0x7, v19  }
0x8f: {  	v25 =	vsel vm4, $0x1, v0;
	v26 =	vsel vm5, $0x3, v17;
	vm3 =	vlt.f32 v37, v31  }
0x90: {  	v27 =	vsel vm0, $0x5, v18;
	v28 =	vsel vm2, $0x7, v19;
	v29 =	vsel vm10, v32, v29  }
0x91: {  	vm1 =	vlt.f32 v35, v33;
	vm2 =	vlt.f32 v38, v36;
	v30 =	vsel vm11, v34, v30  }
0x92: {  	v21 =	vsel vm12, v22, v21;
	v22 =	vsel vm14, v24, v23;
	v23 =	vsel vm3, v30, v29  }
0x93: {  	v24 =	vsel vm13, v26, v25;
	v25 =	vsel vm9, v28, v27;
	[tilespmem:s16+$0xFFFFFFE0] =	vst v23;
	v21 =	vsel vm1, v22, v21  }
0x94: {  	[tilespmem:s16+$0xFFFFFFF0] =	vst v21;
	v21 =	vsel vm2, v25, v24  }
0x95: {  	[tilespmem:s17+$0x0] =	vst v21  }
0x96: {  	v21 =	vld.idx.msk [tilespmem:v9+s9+$0x0], $0xffff  }
0x97: {  	v22 =	vld.idx.msk [tilespmem:v10+s9+$0x0], $0xffff  }
0x98: {  	v23 =	vld.idx.msk [tilespmem:v11+s9+$0x0], $0xffff  }
0x99: {  	s31 =	simm.s32 $0x1030;
	v24 =	vld.idx.msk [tilespmem:v12+s9+$0x0], $0xffff  }
0x9a: {  	v29 =	vld [tilespmem:s31+$0x0]  }
0x9b: {  	v25 =	vld.idx.msk [tilespmem:v13+s9+$0x0], $0xffff  }
0x9c: {  	v26 =	vld.idx.msk [tilespmem:v14+s9+$0x0], $0xffff  }
0x9d: {  	v27 =	vld.idx.msk [tilespmem:v15+s9+$0x0], $0xffff  }
0x9e: {  	v28 =	vld.idx.msk [tilespmem:v16+s9+$0x0], $0xffff  }
0x9f: {  	v53 =	vld [tilespmem:s31+$0xFFFFFFD0]  }
0xa0: {  	v30 =	vsub.f32 v29, v21;
	v31 =	vsub.f32 v29, v22  }
0xa1: {  	v58 =	vld [tilespmem:s31+$0xFFFFFFE0];
	v48 =	vsub.f32 v29, v23;
	v49 =	vsub.f32 v29, v24  }
0xa2: {  	v50 =	vsub.f32 v29, v25;
	v51 =	vsub.f32 v29, v26  }
0xa3: {  	v52 =	vsub.f32 v29, v27;
	v29 =	vsub.f32 v29, v28  }
0xa4: {  	v60 =	vsub.f32 v53, v24;
	v61 =	vsub.f32 v53, v25  }
0xa5: {  	v63 =	vld [tilespmem:s31+$0xFFFFFFF0];
	v62 =	vsub.f32 v53, v26;
	v39 =	vsub.f32 v53, v27  }
0xa6: {  	v37 =	vsub.f32 v53, v28;
	v40 =	vsub.f32 v58, v21  }
0xa7: {  	v41 =	vsub.f32 v58, v22;
	v42 =	vsub.f32 v58, v23  }
0xa8: {  	v43 =	vsub.f32 v58, v24;
	v44 =	vsub.f32 v58, v25  }
0xa9: {  	v45 =	vsub.f32 v58, v26;
	v46 =	vsub.f32 v58, v27  }
0xaa: {  	v47 =	vsub.f32 v63, v21;
	v38 =	vsub.f32 v63, v28;
	v30 =	vand.u32 $0x7FFFFFFF, v30  }
0xab: {  	v31 =	vand.u32 $0x7FFFFFFF, v31;
	v32 =	vand.u32 $0x7FFFFFFF, v48;
	v33 =	vand.u32 $0x7FFFFFFF, v49  }
0xac: {  	v34 =	vand.u32 $0x7FFFFFFF, v50;
	v35 =	vand.u32 $0x7FFFFFFF, v51;
	v36 =	vand.u32 $0x7FFFFFFF, v52  }
0xad: {  	v29 =	vand.u32 $0x7FFFFFFF, v29;
	v39 =	vand.u32 $0x7FFFFFFF, v39;
	v48 =	vsub.f32 v63, v22  }
0xae: {  	v37 =	vand.u32 $0x7FFFFFFF, v37;
	v49 =	vsub.f32 v63, v23;
	v50 =	vsub.f32 v63, v24  }
0xaf: {  	v40 =	vand.u32 $0x7FFFFFFF, v40;
	v51 =	vsub.f32 v63, v25;
	v52 =	vsub.f32 v63, v26  }
0xb0: {  	v41 =	vand.u32 $0x7FFFFFFF, v41;
	v42 =	vand.u32 $0x7FFFFFFF, v42;
	v43 =	vand.u32 $0x7FFFFFFF, v43  }
0xb1: {  	v44 =	vand.u32 $0x7FFFFFFF, v44;
	v45 =	vand.u32 $0x7FFFFFFF, v45;
	v46 =	vand.u32 $0x7FFFFFFF, v46  }
0xb2: {  	v47 =	vand.u32 $0x7FFFFFFF, v47;
	v38 =	vand.u32 $0x7FFFFFFF, v38;
	vm0 =	vlt.f32 v31, v30  }
0xb3: {  	vm1 =	vlt.f32 v33, v32;
	vm2 =	vlt.f32 v35, v34;
	vm3 =	vlt.f32 v29, v36  }
0xb4: {  	vm15 =	vlt.f32 v37, v39;
	vm6 =	vlt.f32 v41, v40;
	vm7 =	vlt.f32 v43, v42  }
0xb5: {  	vm8 =	vlt.f32 v45, v44;
	v30 =	vsel vm0, v31, v30;
	v31 =	vsel vm0, $0x1, v0  }
0xb6: {  	v54 =	vsel vm1, $0x3, v17;
	v32 =	vsel vm1, v33, v32;
	v55 =	vsel vm2, v35, v34  }
0xb7: {  	v29 =	vsel vm3, v29, v36;
	v56 =	vsel vm2, $0x5, v18;
	v57 =	vsel vm3, $0x7, v19  }
0xb8: {  	v33 =	vand.u32 $0x7FFFFFFF, v60;
	v34 =	vand.u32 $0x7FFFFFFF, v61;
	v36 =	vand.u32 $0x7FFFFFFF, v62  }
0xb9: {  	v48 =	vand.u32 $0x7FFFFFFF, v48;
	v49 =	vand.u32 $0x7FFFFFFF, v49;
	v50 =	vand.u32 $0x7FFFFFFF, v50  }
0xba: {  	v51 =	vand.u32 $0x7FFFFFFF, v51;
	v52 =	vand.u32 $0x7FFFFFFF, v52;
	vm0 =	vlt.f32 v32, v30  }
0xbb: {  	vm1 =	vlt.f32 v29, v55;
	vm9 =	vlt.f32 v36, v34;
	vm4 =	vlt.f32 v48, v47  }
0xbc: {  	vm5 =	vlt.f32 v50, v49;
	vm11 =	vlt.f32 v52, v51;
	v30 =	vsel vm0, v32, v30  }
0xbd: {  	v29 =	vsel vm1, v29, v55;
	v31 =	vsel vm0, v54, v31;
	v59 =	vsel vm1, v57, v56  }
0xbe: {  	v32 =	vsub.f32 v58, v28;
	v55 =	vsel vm9, v36, v34;
	v56 =	vsel vm15, v37, v39  }
0xbf: {  	v57 =	vsel vm6, v41, v40;
	v58 =	vsel vm7, v43, v42;
	v61 =	vsel vm4, v48, v47  }
0xc0: {  	v62 =	vsel vm5, v50, v49;
	v34 =	vsel vm15, $0x7, v19;
	vm0 =	vlt.f32 v29, v30  }
0xc1: {  	v29 =	vsub.f32 v53, v21;
	v30 =	vsub.f32 v53, v22;
	vm13 =	vlt.f32 v62, v61  }
0xc2: {  	v35 =	vsel vm0, v59, v31;
	v31 =	vsub.f32 v53, v23;
	v32 =	vand.u32 $0x7FFFFFFF, v32  }
0xc3: {  	v59 =	vsel vm8, v45, v44;
	vm0 =	vmmov vm11;
	v36 =	vsel vm13, v62, v61  }
0xc4: {  	v29 =	vand.u32 $0x7FFFFFFF, v29;
	v30 =	vand.u32 $0x7FFFFFFF, v30;
	vm3 =	vlt.f32 v32, v46  }
0xc5: {  	v31 =	vand.u32 $0x7FFFFFFF, v31;
	vm12 =	vlt.f32 v30, v29;
	v60 =	vsel vm3, v32, v46  }
0xc6: {  	v30 =	vsel vm12, v30, v29;
	v29 =	vsub.f32 v63, v27;
	vm1 =	vlt.f32 v33, v31  }
0xc7: {  	v63 =	vsel vm11, v52, v51;
	vm11 =	vlt.f32 v56, v55;
	vm14 =	vlt.f32 v60, v59  }
0xc8: {  	v31 =	vsel vm1, v33, v31;
	v32 =	vsel vm1, $0x3, v17;
	v29 =	vand.u32 $0x7FFFFFFF, v29  }
0xc9: {  	v37 =	vsel vm11, v56, v55;
	vm10 =	vlt.f32 v31, v30;
	vm2 =	vlt.f32 v38, v29  }
0xca: {  	v31 =	vsel vm10, v31, v30;
	v30 =	vsel vm9, $0x5, v18;
	v38 =	vsel vm2, v38, v29  }
0xcb: {  	s16 =	simm.s32 $0x3030;
	v29 =	vsel vm12, $0x1, v0;
	vm12 =	vlt.f32 v58, v57;
	vm9 =	vlt.f32 v38, v63  }
0xcc: {  	s18 =	simm.s32 $0x0;
	s19 =	simm.s32 $0x1070;
	s17 =	simm.s32 $0x3030;
	[tilespmem:s16+$0x0] =	vst v35;
	v35 =	vsel vm14, v60, v59;
	v33 =	vsel vm12, v58, v57;
	v38 =	vsel vm9, v38, v63  }
.LBB2_4:
0xcd: {  	v40 =	vsel vm6, $0x1, v0  }
0xce: {  	v39 =	vld [tilespmem:s19+$0x0];
	v41 =	vsel vm7, $0x3, v17;
	v42 =	vsel vm8, $0x5, v18;
	v44 =	vsel vm3, $0x7, v19  }
0xcf: {  	v45 =	vsel vm4, $0x1, v0;
	v46 =	vsel vm5, $0x3, v17;
	vm3 =	vlt.f32 v37, v31  }
0xd0: {  	v31 =	vsel vm0, $0x5, v18;
	v62 =	vsel vm2, $0x7, v19;
	v29 =	vsel vm10, v32, v29  }
0xd1: {  	vm2 =	vlt.f32 v35, v33;
	vm1 =	vlt.f32 v38, v36;
	v30 =	vsel vm11, v34, v30  }
0xd2: {  	v48 =	vld [tilespmem:s19+$0xFFFFFFD0];
	v63 =	vsel vm12, v41, v40;
	v44 =	vsel vm14, v44, v42;
	v51 =	vsel vm13, v46, v45  }
0xd3: {  	v31 =	vsel vm9, v62, v31;
	v49 =	vsub.f32 v39, v21;
	v50 =	vsub.f32 v39, v22  }
0xd4: {  	v29 =	vsel vm3, v30, v29;
	v52 =	vsub.f32 v39, v23;
	v53 =	vsub.f32 v39, v24  }
0xd5: {  	[tilespmem:s16+$0xFFFFFFD0] =	vst v29;
	v29 =	vsel vm2, v44, v63;
	v54 =	vsub.f32 v39, v25;
	v55 =	vsub.f32 v39, v26  }
0xd6: {  	v43 =	vld [tilespmem:s19+$0xFFFFFFE0];
	v31 =	vsel vm1, v31, v51;
	v30 =	vsub.f32 v39, v27;
	v39 =	vsub.f32 v39, v28  }
0xd7: {  	v47 =	vld [tilespmem:s19+$0xFFFFFFF0];
	[tilespmem:s17+$0xFFFFFFF0] =	vst v31;
	v51 =	vsub.f32 v48, v25;
	v31 =	vsub.f32 v48, v27;
	v56 =	vand.u32 $0x7FFFFFFF, v49  }
0xd8: {  	[tilespmem:s16+$0xFFFFFFE0] =	vst v29;
	v57 =	vand.u32 $0x7FFFFFFF, v50;
	v58 =	vand.u32 $0x7FFFFFFF, v52;
	v29 =	vand.u32 $0x7FFFFFFF, v53  }
0xd9: {  	v59 =	vand.u32 $0x7FFFFFFF, v54;
	v60 =	vand.u32 $0x7FFFFFFF, v55;
	v49 =	vsub.f32 v48, v23  }
0xda: {  	v30 =	vand.u32 $0x7FFFFFFF, v30;
	v50 =	vsub.f32 v48, v24;
	v52 =	vsub.f32 v48, v26  }
0xdb: {  	v61 =	vand.u32 $0x7FFFFFFF, v39;
	v53 =	vsub.f32 v48, v28;
	v54 =	vsub.f32 v43, v21  }
0xdc: {  	v55 =	vsub.f32 v43, v22;
	v31 =	vand.u32 $0x7FFFFFFF, v31;
	vm0 =	vlt.f32 v57, v56  }
0xdd: {  	vm2 =	vlt.f32 v29, v58;
	vm3 =	vlt.f32 v60, v59;
	vm4 =	vlt.f32 v61, v30  }
0xde: {  	v32 =	vsel vm0, v57, v56;
	v62 =	vsel vm0, $0x1, v0;
	v63 =	vsel vm2, $0x3, v17  }
0xdf: {  	v29 =	vsel vm2, v29, v58;
	v41 =	vsel vm3, v60, v59;
	v30 =	vsel vm4, v61, v30  }
0xe0: {  	v42 =	vsel vm3, $0x5, v18;
	v44 =	vsel vm4, $0x7, v19;
	v33 =	vand.u32 $0x7FFFFFFF, v49  }
0xe1: {  	v34 =	vand.u32 $0x7FFFFFFF, v50;
	v56 =	vsub.f32 v43, v25;
	v57 =	vsub.f32 v43, v26  }
0xe2: {  	v35 =	vand.u32 $0x7FFFFFFF, v52;
	v58 =	vsub.f32 v43, v27;
	v59 =	vsub.f32 v47, v21  }
0xe3: {  	v60 =	vsub.f32 v47, v22;
	v36 =	vand.u32 $0x7FFFFFFF, v53;
	v61 =	vsub.f32 v47, v23  }
0xe4: {  	v49 =	vsub.f32 v47, v24;
	v37 =	vand.u32 $0x7FFFFFFF, v54;
	v50 =	vsub.f32 v47, v25  }
0xe5: {  	v38 =	vand.u32 $0x7FFFFFFF, v55;
	v52 =	vsub.f32 v47, v27;
	v53 =	vimm.s32 $0x0  }
0xe6: {  	vm0 =	vlt.f32 v29, v32;
	vm2 =	vlt.f32 v30, v41;
	vm15 =	vlt.f32 v34, v33  }
0xe7: {  	vm10 =	vlt.f32 v36, v31;
	vm6 =	vlt.f32 v38, v37;
	v29 =	vsel vm0, v29, v32  }
0xe8: {  	v30 =	vsel vm2, v30, v41;
	v45 =	vsel vm0, v63, v62;
	v62 =	vsub.f32 v43, v23  }
0xe9: {  	v46 =	vsel vm2, v44, v42;
	v63 =	vsub.f32 v43, v24;
	v43 =	vsub.f32 v43, v28  }
0xea: {  	v41 =	vand.u32 $0x7FFFFFFF, v56;
	v42 =	vand.u32 $0x7FFFFFFF, v57;
	v44 =	vand.u32 $0x7FFFFFFF, v58  }
0xeb: {  	v49 =	vand.u32 $0x7FFFFFFF, v49;
	v50 =	vand.u32 $0x7FFFFFFF, v50;
	v52 =	vand.u32 $0x7FFFFFFF, v52  }
0xec: {  	v54 =	vsel vm10, v36, v31;
	v55 =	vsel vm6, v38, v37;
	vm0 =	vlt.f32 v30, v29  }
0xed: {  	v29 =	vsub.f32 v48, v21;
	v30 =	vsub.f32 v48, v22;
	v48 =	vand.u32 $0x7FFFFFFF, v61  }
0xee: {  	vm8 =	vlt.f32 v42, v41;
	v32 =	vsel vm0, v46, v45;
	v39 =	vand.u32 $0x7FFFFFFF, v62  }
0xef: {  	v40 =	vand.u32 $0x7FFFFFFF, v63;
	v43 =	vand.u32 $0x7FFFFFFF, v43;
	v45 =	vand.u32 $0x7FFFFFFF, v59  }
0xf0: {  	v46 =	vand.u32 $0x7FFFFFFF, v60;
	v62 =	vimm.s32 $0x0;
	v63 =	vimm.s32 $0x0  }
0xf1: {  	s16 =	sadd.s32 $0x40, s16;
	vm5 =	vlt.f32 v49, v48;
	v57 =	vsel vm8, v42, v41;
	v29 =	vand.u32 $0x7FFFFFFF, v29  }
0xf2: {  	[tilespmem:s16+$0x0] =	vst v32;
	v30 =	vand.u32 $0x7FFFFFFF, v30;
	v32 =	vand.u32 $0x7FFFFFFF, v51;
	v51 =	vsub.f32 v47, v26  }
0xf3: {  	v47 =	vsub.f32 v47, v28;
	vm7 =	vlt.f32 v40, v39;
	vm3 =	vlt.f32 v43, v44  }
0xf4: {  	vm4 =	vlt.f32 v46, v45;
	v60 =	vsel vm5, v49, v48;
	vm0 =	vlt.f32 v30, v29  }
0xf5: {  	vm1 =	vlt.f32 v35, v32;
	v56 =	vsel vm7, v40, v39;
	v53 =	vsel vm0, $0xFFFFFFFF, v53  }
0xf6: {  	v29 =	vsel vm0, v30, v29;
	v30 =	vsel vm15, v34, v33;
	[tilespmem:$0x1FFA0] =	vst v53;
	v53 =	vsel vm1, $0xFFFFFFFF, v62  }
0xf7: {  	v58 =	vsel vm3, v43, v44;
	[tilespmem:$0x1FFB0] =	vst v53;
	v53 =	vsel vm10, $0xFFFFFFFF, v63;
	vm10 =	vlt.f32 v30, v29  }
0xf8: {  	v59 =	vsel vm4, v46, v45;
	v51 =	vand.u32 $0x7FFFFFFF, v51;
	v31 =	vsel vm10, v30, v29;
	v29 =	vld [tilespmem:$0x1FFA0]  }
0xf9: {  	v47 =	vand.u32 $0x7FFFFFFF, v47;
	v32 =	vsel vm1, v35, v32;
	vm12 =	vlt.f32 v56, v55;
	[tilespmem:$0x1FFC0] =	vst v53;
	v30 =	vld [tilespmem:$0x1FFB0]  }
0xfa: {  	s18 =	sadd.s32 $0x40, s18;
	vm14 =	vlt.f32 v58, v57;
	vm13 =	vlt.f32 v60, v59;
	vm9 =	vlt.f32 v51, v50;
	v63 =	vld [tilespmem:$0x1FFC0]  }
0xfb: {  	p1 =	slt.u32 s18, $0xFC0;
	vm2 =	vlt.f32 v47, v52;
	vm11 =	vlt.f32 v54, v32;
	v33 =	vsel vm12, v56, v55  }
.Ltmp1:
0xfc: {  	v35 =	vsel vm14, v58, v57;
	v36 =	vsel vm13, v60, v59;
	vm0 =	vmmov vm9;
	(pc) =	sbr.rel @p1 .LBB2_4-.Ltmp1, $4  }
0xfd: {  	v61 =	vsel vm9, v51, v50;
	v62 =	vsel vm2, v47, v52;
	vm1 =	vnez.u8 v29  }
0xfe: {  	v37 =	vsel vm11, v54, v32;
	v29 =	vsel vm1, $0x1, v0;
	vm1 =	vnez.u8 v30  }
0xff: {  	vm9 =	vlt.f32 v62, v61;
	v30 =	vsel vm1, $0x5, v18;
	vm1 =	vnez.u8 v63  }
0x100: {  	s19 =	sadd.s32 $0x40, s19;
	s17 =	smov.u32 s16;
	v32 =	vsel vm15, $0x3, v17;
	v38 =	vsel vm9, v62, v61;
	v34 =	vsel vm1, $0x7, v19  }
0x101: {  	v21 =	vsel vm6, $0x1, v0  }
0x102: {  	v22 =	vsel vm7, $0x3, v17;
	v23 =	vsel vm8, $0x5, v18;
	v24 =	vsel vm3, $0x7, v19  }
0x103: {  	v25 =	vsel vm4, $0x1, v0;
	v26 =	vsel vm5, $0x3, v17;
	vm8 =	vlt.f32 v37, v31  }
0x104: {  	v27 =	vsel vm0, $0x5, v18;
	v28 =	vsel vm2, $0x7, v19;
	v29 =	vsel vm10, v32, v29  }
0x105: {  	vm1 =	vlt.f32 v35, v33;
	vm15 =	vlt.f32 v38, v36;
	v30 =	vsel vm11, v34, v30  }
0x106: {  	v21 =	vsel vm12, v22, v21;
	v22 =	vsel vm14, v24, v23;
	v23 =	vsel vm8, v30, v29  }
0x107: {  	v24 =	vsel vm13, v26, v25;
	v25 =	vsel vm9, v28, v27;
	[tilespmem:s16+$0xFFFFFFD0] =	vst v23;
	v21 =	vsel vm1, v22, v21  }
0x108: {  	[tilespmem:s16+$0xFFFFFFE0] =	vst v21;
	v21 =	vsel vm15, v25, v24  }
0x109: {  	[tilespmem:s17+$0xFFFFFFF0] =	vst v21  }
0x10a: {  	_ =	swait.ge [sflag:s12], $0x1810  }
0x10b: {  	[sflag:s12] =	ssyncset.done $0x0  }
0x10c: {  	s31 =	simm.s32 $0x4020;
	[sflag:s12] =	ssyncadd.s32 $0xFFFFE7F0  }
0x10d: {  	v21 =	vld [tilespmem:s31+$0x10]  }
0x10e: {  	v22 =	vld [tilespmem:s31+$0x11]  }
0x10f: {  	v23 =	vld [tilespmem:s31+$0xFFFFFFF0]  }
0x110: {  	v24 =	vld [tilespmem:s31+$0x0]  }
0x111: {  	v26 =	vld [tilespmem:s31+$0xFFFFFFE0]  }
0x112: {  	v27 =	vld [tilespmem:s31+$0xFFFFFFE1]  }
0x113: {  	v28 =	vld [tilespmem:s31+$0xFFFFFFF1]  }
0x114: {  	v29 =	vld [tilespmem:s31+$0x1]  }
0x115: {  	v21 =	vld.idx.msk [tilespmem:v21+s13+$0x0], $0xffff  }
0x116: {  	v63 =	vld.idx.msk [tilespmem:v22+s13+$0x0], $0xffff  }
0x117: {  	v25 =	vld.idx.msk [tilespmem:v23+s13+$0x0], $0xffff  }
0x118: {  	v23 =	vld.idx.msk [tilespmem:v24+s13+$0x0], $0xffff  }
0x119: {  	v26 =	vld.idx.msk [tilespmem:v26+s13+$0x0], $0xffff  }
0x11a: {  	v24 =	vld.idx.msk [tilespmem:v27+s13+$0x0], $0xffff  }
0x11b: {  	v22 =	vld.idx.msk [tilespmem:v28+s13+$0x0], $0xffff;
	v27 =	vshll.u32 v21, $0x3  }
0x11c: {  	s18 =	simm.s32 $0x0;
	s19 =	simm.s32 $0x4060;
	v21 =	vld.idx.msk [tilespmem:v29+s13+$0x0], $0xffff;
	v27 =	vadd.s32 v27, v63  }
.LBB2_6:
0x11d: {  	v28 =	vld [tilespmem:s19+$0x10];
	s18 =	sadd.s32 $0x40, s18;
	v25 =	vshll.u32 v25, $0x3  }
0x11e: {  	v23 =	vshll.u32 v23, $0x3;
	v29 =	vld [tilespmem:s19+$0x11];
	p1 =	slt.u32 s18, $0x1780  }
0x11f: {  	v26 =	vshll.u32 v26, $0x3;
	v30 =	vld [tilespmem:s19+$0xFFFFFFF0]  }
0x120: {  	v24 =	vadd.s32 v26, v24;
	v31 =	vld [tilespmem:s19+$0x0]  }
0x121: {  	s16 =	simm.s32 $0x17B0;
	s17 =	simm.s32 $0x57C1;
	v22 =	vadd.s32 v25, v22;
	v26 =	vld [tilespmem:s19+$0xFFFFFFE0];
	[tilespmem:v27+s14+$0x0] =	vst.idx.msk $0xffff, v20  }
0x122: {  	v21 =	vadd.s32 v23, v21;
	v27 =	vld [tilespmem:s19+$0xFFFFFFE1]  }
0x123: {  	v32 =	vld [tilespmem:s19+$0xFFFFFFF1]  }
0x124: {  	v33 =	vld [tilespmem:s19+$0x1]  }
0x125: {  	v28 =	vld.idx.msk [tilespmem:v28+s13+$0x0], $0xffff;
	[tilespmem:v24+s14+$0x0] =	vst.idx.msk $0xffff, v20  }
0x126: {  	v29 =	vld.idx.msk [tilespmem:v29+s13+$0x0], $0xffff;
	[tilespmem:v22+s14+$0x0] =	vst.idx.msk $0xffff, v20  }
0x127: {  	v25 =	vld.idx.msk [tilespmem:v30+s13+$0x0], $0xffff;
	[tilespmem:v21+s14+$0x0] =	vst.idx.msk $0xffff, v20  }
.Ltmp2:
0x128: {  	v23 =	vld.idx.msk [tilespmem:v31+s13+$0x0], $0xffff;
	(pc) =	sbr.rel @p1 .LBB2_6-.Ltmp2, $4  }
0x129: {  	v26 =	vld.idx.msk [tilespmem:v26+s13+$0x0], $0xffff  }
0x12a: {  	v24 =	vld.idx.msk [tilespmem:v27+s13+$0x0], $0xffff  }
0x12b: {  	v27 =	vshll.u32 v28, $0x3;
	v22 =	vld.idx.msk [tilespmem:v32+s13+$0x0], $0xffff  }
0x12c: {  	s19 =	sadd.s32 $0x40, s19;
	v27 =	vadd.s32 v27, v29;
	v21 =	vld.idx.msk [tilespmem:v33+s13+$0x0], $0xffff  }
0x12d: {  	_ = 	snop  }
0x12e: {  	v26 =	vshll.u32 v26, $0x3  }
0x12f: {  	v25 =	vshll.u32 v25, $0x3;
	v24 =	vadd.s32 v26, v24  }
0x130: {  	v23 =	vshll.u32 v23, $0x3;
	v22 =	vadd.s32 v25, v22  }
0x131: {  	v21 =	vadd.s32 v23, v21;
	_ =	sdelay $0x1  }
0x132: {  	[tilespmem:v27+s14+$0x0] =	vst.idx.msk $0xffff, v20  }
0x133: {  	[tilespmem:v24+s14+$0x0] =	vst.idx.msk $0xffff, v20  }
0x134: {  	[tilespmem:v22+s14+$0x0] =	vst.idx.msk $0xffff, v20  }
0x135: {  	[tilespmem:v21+s14+$0x0] =	vst.idx.msk $0xffff, v20  }
.LBB2_8:
0x136: {  	v21 =	vld [tilespmem:s17+$0xFFFFFFFF]  }
0x137: {  	v22 =	vld [tilespmem:s17+$0x0];
	_ =	sdelay $0x6  }
0x138: {  	v21 =	vld.idx.msk [tilespmem:v21+s13+$0x0], $0xffff  }
0x139: {  	v22 =	vld.idx.msk [tilespmem:v22+s13+$0x0], $0xffff;
	_ =	sdelay $0x3  }
0x13a: {  	s16 =	sadd.s32 $0x10, s16;
	v21 =	vshll.u32 v21, $0x3  }
0x13b: {  	p1 =	slt.u32 s16, $0x17E0;
	v21 =	vadd.s32 v21, v22  }
.Ltmp3:
0x13c: {  	_ = 	snop;
	(pc) =	sbr.rel @p1 .LBB2_8-.Ltmp3, $2  }
0x13d: {  	_ =	sdelay $0x2  }
0x13e: {  	s17 =	sadd.s32 $0x10, s17;
	[tilespmem:v21+s14+$0x0] =	vst.idx.msk $0xffff, v20  }
0x13f: {  	v21 =	vld [tilespmem:$0x57F0]  }
0x140: {  	v22 =	vld [tilespmem:$0x57F1];
	_ =	sdelay $0x6  }
0x141: {  	v21 =	vld.idx.msk [tilespmem:v21+s13+$0x0], $0xffff  }
0x142: {  	v22 =	vld.idx.msk [tilespmem:v22+s13+$0x0], $0xffff;
	_ =	sdelay $0x3  }
0x143: {  	v23 =	vshll.u32 v21, $0x3  }
0x144: {  	v22 =	vadd.s32 v22, v23;
	v23 =	vld [tilespmem:$0x1FFF0];
	_ =	sdelay $0x4  }
0x145: {  	vm0 =	vnez.u8 v23  }
0x146: {  	v22 =	vnsel vm0, $0x40, v22;
	_ =	sdelay $0x3  }
0x147: {  	s15 =	sadd.s32 $0x1, s15  }
0x148: {  	p1 =	sne.s32 s15, s7;
	[tilespmem:v22+s14+$0x0] =	vst.idx.msk $0xffff, v20  }
.Ltmp4:
0x149: {  	[tilespmem:$0x58D0] =	vst @!p0 v21;
	(pc) =	sbr.rel @p1 .LBB2_1-.Ltmp4, $4  }
0x14a: {  	[hbm4b:s6+s3] =	stream.linear.scatter [tilespmem:s14], [sflag:$0x1], $0x50, $0x38;
	[tilespmem:$0x58E0] =	vst v63  }
0x14b: {  	_ =	swait.ge [sflag:s11], $0x50  }
0x14c: {  	[sflag:s11] =	ssyncset.done $0x0  }
0x14d: {  	[sflag:s11] =	ssyncadd.s32 $0xFFFFFFB0  }
0x14e: {  	_ =	sfence.sel $0x180000  }
0x14f: {  	[bflag:$0x0] =	sbarrier.arrive $0xFFFF  }
0x150: {  	p0 =	sne.s32 s0, $0x0;
	_ =	strace $0x90000047  }
0x151: {  	s0 =	sadd.s32 @!p0 $0x100000, s1;
	[bflag:$0x2] =	sbarrier.arrive $0xFFFF  }
0x152: {  	[sflag:s0] =	ssyncadd.tile.s32 @!p0 $0x1;
	_ =	shalt  }
.Lfunc_end2:
_tile_overlayer_lowered:
.L_overlay_start_2:
0x153: {  	(tag) =	ssettag $0x2  }
0x154: {  	s0 =	rddreg [dreg:$0x0];
	s2 =	stileid.u32  }
0x155: {  	s1 =	rddreg [dreg:$0x1];
	p0 =	sne.s32 s2, $0x0  }
0x156: {  	s3 =	rddreg [dreg:$0x2];
	[bflag:$0x3] =	sbarrier.arrive $0xFFFF;
	s2 =	simm.s32 @!p0 $0x1C04  }
0x157: {  	[timem:s3], [sflag:s2] =	dma.local @!p0 [hbm:s0], s1  }
0x158: {  	s0 =	simm.s32 @!p0 $0x4  }
0x159: {  	_ =	swait.ge @!p0 [sflag:s0], s1  }
0x15a: {  	s1 =	ssub.s32 @!p0 $0x0, s1;
	[sflag:s0] =	ssyncset.done @!p0 $0x0  }
0x15b: {  	[sflag:s0] =	ssyncadd.s32 @!p0 s1  }
0x15c: {  	[bflag:$0x3] =	sbarrier.arrive $0xFFFF  }
0x15d: {  	_ =	shalt  }

</sc_bundles>
